<compile_context>
chip_gen: v7x
topology: tpu7x:2x2x1
jax: 0.10.2.dev20260603
libtpu: 0.0.44.dev20260713+nightly
codegen_flags: <defaults>
</compile_context>

<pallas_src>
import functools

import jax
import jax.numpy as jnp
from jax import lax
from jax.experimental import pallas as pl
from jax.experimental.pallas import tpu as pltpu
from jax.experimental.pallas import tpu_sc as plsc

B = 4096
A = 30
D = 768
MC = 200
EPS = 1e-5
S = 208
NIDX = B * A
W = 64


def _table_body(atom_ref, pos_ref, cw_ref, lnw_ref, lnb_ref, out_ref):
    base = atom_ref[0, 0, :] + pos_ref[0, 0, :]
    x = cw_ref[...] + base[None, :]
    mean = jnp.mean(x, axis=1, keepdims=True)
    xc = x - mean
    var = jnp.mean(xc * xc, axis=1, keepdims=True)
    y = xc * lax.rsqrt(var + EPS) * lnw_ref[0, :][None, :] + lnb_ref[0, :][None, :]
    out_ref[0] = y


def _idx_mask_body(ft_ref, f_ref, idx_ref, mask_ref):
    ft = ft_ref[...]
    c = jnp.clip(ft, 0, MC)
    a_ids = lax.broadcasted_iota(jnp.int32, ft.shape, 0)
    idx_ref[...] = a_ids * S + c
    mask_ref[...] = (f_ref[...] > 0).astype(jnp.float32)


def _build_table(atom_w, pos_w, count_w, ln_w, ln_b):
    cw_pad = jnp.pad(count_w, ((0, S - (MC + 1)), (0, 0)))
    return pl.pallas_call(
        _table_body,
        grid=(A,),
        in_specs=[
            pl.BlockSpec((1, 1, D), lambda a: (a, 0, 0)),
            pl.BlockSpec((1, 1, D), lambda a: (a, 0, 0)),
            pl.BlockSpec((S, D), lambda a: (0, 0)),
            pl.BlockSpec((1, D), lambda a: (0, 0)),
            pl.BlockSpec((1, D), lambda a: (0, 0)),
        ],
        out_specs=pl.BlockSpec((1, S, D), lambda a: (a, 0, 0)),
        out_shape=jax.ShapeDtypeStruct((A, S, D), jnp.float32),
    )(atom_w.reshape(A, 1, D), pos_w.reshape(A, 1, D), cw_pad,
      ln_w.reshape(1, D), ln_b.reshape(1, D))


def _build_idx_mask(formula_vectors):
    BB = 512
    return pl.pallas_call(
        _idx_mask_body,
        grid=(B // BB,),
        in_specs=[
            pl.BlockSpec((A, BB), lambda i: (0, i)),
            pl.BlockSpec((BB, A), lambda i: (i, 0)),
        ],
        out_specs=[
            pl.BlockSpec((A, BB), lambda i: (0, i)),
            pl.BlockSpec((BB, A), lambda i: (i, 0)),
        ],
        out_shape=[
            jax.ShapeDtypeStruct((A, B), jnp.int32),
            jax.ShapeDtypeStruct((B, A), jnp.float32),
        ],
    )(formula_vectors.T, formula_vectors)


@functools.cache
def _make_sc_gather():
    @functools.partial(
        pl.kernel,
        out_type=jax.ShapeDtypeStruct((NIDX, D), jnp.float32),
        mesh=plsc.VectorSubcoreMesh(core_axis_name="c", subcore_axis_name="s"),
    )
    def _sc_gather(table_hbm, idx_hbm, out_hbm):
        def body(i_vmem, o_vmem):
            pltpu.sync_copy(table_hbm.at[i_vmem.at[0, 0]], o_vmem)

        pltpu.emit_pipeline(
            body,
            grid=(NIDX // W,),
            in_specs=[pl.BlockSpec((1, 1, W), lambda i: (i, 0, 0))],
            out_specs=[pl.BlockSpec((W, D), lambda i: (i, 0))],
            core_axis_name=("c", "s"),
            dimension_semantics=(pltpu.PARALLEL,),
        )(idx_hbm, out_hbm)

    return _sc_gather


def kernel(formula_vectors, atom_w, count_w, pos_w, ln_w, ln_b):
    table = _build_table(atom_w, pos_w, count_w, ln_w, ln_b)
    idx, mask = _build_idx_mask(formula_vectors)
    rows = _make_sc_gather()(table.reshape(A * S, D), idx.reshape(NIDX // W, 1, W))
    return rows.reshape(A, B, D).transpose(1, 0, 2), mask

# --- scband reference (transcript-rebuilt; emitter-appended) ---
"""Pipeline reference for scband-formula-sequence-encoder-29016799052530 (READ-ONLY COPY).

The authoritative reference and input builder live on the scoring server;
editing this copy changes nothing except your own understanding.
"""

import jax, jax.numpy as jnp
import numpy as np

B = 4096
A = 30          # num_atom_types
D = 768         # embedding_dim
MC = 200        # max_count
EPS = 1e-5


def setup_inputs(seed: int = 0) -> dict:
    key = jax.random.key(seed)
    k1, k2, k3, k4 = jax.random.split(key, 4)
    formula_vectors = jax.random.randint(k1, (B, A), 0, 200, dtype=jnp.int32)
    atom_w = 0.02 * jax.random.normal(k2, (A, D), dtype=jnp.float32)
    count_w = 0.02 * jax.random.normal(k3, (MC + 1, D), dtype=jnp.float32)
    pos_w = 0.02 * jax.random.normal(k4, (A, D), dtype=jnp.float32)
    ln_w = jnp.ones((D,), dtype=jnp.float32)
    ln_b = jnp.zeros((D,), dtype=jnp.float32)
    return {
        "formula_vectors": formula_vectors,
        "atom_w": atom_w,
        "count_w": count_w,
        "pos_w": pos_w,
        "ln_w": ln_w,
        "ln_b": ln_b,
    }


def reference(formula_vectors, atom_w, count_w, pos_w, ln_w, ln_b):
    batch = formula_vectors.shape[0]
    atom_idx = jnp.broadcast_to(jnp.arange(A, dtype=jnp.int32)[None, :], (batch, A))
    atom_emb = jnp.take(atom_w, atom_idx, axis=0)          # [B, A, D]
    counts_clipped = jnp.clip(formula_vectors, 0, MC).astype(jnp.int32)
    count_emb = jnp.take(count_w, counts_clipped, axis=0)  # [B, A, D]
    pos_emb = jnp.take(pos_w, atom_idx, axis=0)            # [B, A, D]
    x = atom_emb + count_emb + pos_emb
    mean = jnp.mean(x, axis=-1, keepdims=True)
    var = jnp.mean((x - mean) ** 2, axis=-1, keepdims=True)
    embeddings = (x - mean) / jnp.sqrt(var + EPS) * ln_w + ln_b
    mask = (formula_vectors > 0).astype(jnp.float32)
    return (embeddings, mask)

if __name__ == "__main__":
    import jax
    _d = setup_inputs()
    print(jax.jit(kernel)(*tuple(_d.values())))

</pallas_src>

<mosaic_0001>
#map = affine_map<(d0, d1) -> (0, 0)>
#map1 = affine_map<(d0, d1) -> (0, 0, 0)>
module attributes {stable_mosaic.version = 14 : i64} {
  func.func @_sc_gather(%arg0: i32, %arg1: i32, %arg2: memref<6240x768xf32, #tpu.memory_space<hbm>>, %arg3: memref<1920x1x64xi32, #tpu.memory_space<hbm>>, %arg4: memref<122880x768xf32, #tpu.memory_space<hbm>>) attributes {dimension_semantics = [#tpu.dimension_semantics<core_parallel>, #tpu.dimension_semantics<subcore_parallel>], iteration_bounds = array<i64: 2, 16>, scalar_prefetch = 0 : i64, scratch_operands = 0 : i64, tpu.core_type = #tpu.core_type<sc_vector_subcore>, window_params = [{transform_indices = #map}, {transform_indices = #map1}, {transform_indices = #map}]} {
    %mul3A = arith.constant 1 : i32
    %mul3A_0 = arith.muli %arg1, %mul3A : i32
    %add3A = arith.constant 0 : i32
    %add3A_1 = arith.addi %add3A, %mul3A_0 : i32
    %mul3A_2 = arith.constant 16 : i32
    %mul3A_3 = arith.muli %arg0, %mul3A_2 : i32
    %add3A_4 = arith.addi %add3A_1, %mul3A_3 : i32
    %mul3A_5 = arith.constant 60 : i32
    %mul3A_6 = arith.muli %add3A_4, %mul3A_5 : i32
    "tpu.region"() ({
      %run_scoped3A = memref.alloca() : memref<2x1x1x64xi32, #tpu.memory_space<vmem>>
      %run_scoped3A_7 = tpu.sem_alloc : memref<2x!tpu.dma_semaphore, #tpu.memory_space<semaphore_mem>>
      %run_scoped3A_8 = memref.alloca() : memref<2x64x768xf32, #tpu.memory_space<vmem>>
      %run_scoped3A_9 = tpu.sem_alloc : memref<2x!tpu.dma_semaphore, #tpu.memory_space<semaphore_mem>>
      %add3A_10 = arith.constant 0 : i32
      %add3A_11 = arith.addi %add3A_10, %mul3A_6 : i32
      %select_n3A = arith.constant true
      %select_n3A_12 = arith.constant 0 : i32
      %select_n3A_13 = arith.constant -1 : i32
      %select_n3A_14 = arith.select %select_n3A, %select_n3A_13, %select_n3A_12 : i32
      %eq3A = arith.constant -1 : i32
      %eq3A_15 = arith.cmpi eq, %select_n3A_14, %eq3A : i32
      %select_n3A_16 = arith.constant 59 : i32
      %select_n3A_17 = arith.select %eq3A_15, %select_n3A_16, %select_n3A_14 : i32
      %add3A_18 = arith.addi %select_n3A_17, %mul3A_6 : i32
      %select_n3A_19 = arith.constant true
      %select_n3A_20 = arith.constant 0 : i32
      %select_n3A_21 = arith.constant 1 : i32
      %select_n3A_22 = arith.select %select_n3A_19, %select_n3A_21, %select_n3A_20 : i32
      %eq3A_23 = arith.constant 60 : i32
      %eq3A_24 = arith.cmpi eq, %select_n3A_22, %eq3A_23 : i32
      %select_n3A_25 = arith.constant 0 : i32
      %select_n3A_26 = arith.select %eq3A_24, %select_n3A_25, %select_n3A_22 : i32
      %add3A_27 = arith.addi %select_n3A_26, %mul3A_6 : i32
      %add3A_28 = arith.constant 1 : i32
      %add3A_29 = arith.addi %select_n3A_26, %add3A_28 : i32
      %select_n3A_30 = arith.constant true
      %select_n3A_31 = arith.select %select_n3A_30, %add3A_29, %select_n3A_26 : i32
      %eq3A_32 = arith.constant 60 : i32
      %eq3A_33 = arith.cmpi eq, %select_n3A_31, %eq3A_32 : i32
      %select_n3A_34 = arith.constant 0 : i32
      %select_n3A_35 = arith.select %eq3A_33, %select_n3A_34, %select_n3A_31 : i32
      %add3A_36 = arith.addi %select_n3A_35, %mul3A_6 : i32
      "tpu.trace_start"() <{level = 10 : i32, message = "ep_initialize_0"}> : () -> ()
      %rem3A = arith.constant 0 : i32
      %rem3A_37 = arith.constant 2 : i32
      %rem3A_38 = arith.remui %rem3A, %rem3A_37 : i32
      %mul3A_39 = arith.constant 1 : i32
      %mul3A_40 = arith.muli %mul3A_39, %add3A_11 : i32
      %dma_start3A = arith.constant 0 : i32
      %dma_start3A_41 = arith.constant 0 : i32
      %dma_start3A_42 = arith.constant 0 : i32
      %dma_start3A_43 = tpu.memref_slice %run_scoped3A[%rem3A_38, %dma_start3A, %dma_start3A_41, %dma_start3A_42] : memref<2x1x1x64xi32, #tpu.memory_space<vmem>> -> memref<1x1x1x64xi32, #tpu.memory_space<vmem>>
      %dma_start3A_44 = tpu.memref_squeeze %dma_start3A_43 : memref<1x1x1x64xi32, #tpu.memory_space<vmem>> -> memref<1x1x64xi32, #tpu.memory_space<vmem>>
      %dma_start3A_45 = arith.constant 0 : i32
      %dma_start3A_46 = arith.constant 0 : i32
      %dma_start3A_47 = tpu.memref_slice %arg3[%mul3A_40, %dma_start3A_45, %dma_start3A_46] : memref<1920x1x64xi32, #tpu.memory_space<hbm>> -> memref<1x1x64xi32, #tpu.memory_space<hbm>>
      %dma_start3A_48 = tpu.memref_slice %run_scoped3A_7[%rem3A_38] : memref<2x!tpu.dma_semaphore, #tpu.memory_space<semaphore_mem>> -> memref<1x!tpu.dma_semaphore, #tpu.memory_space<semaphore_mem>>
      %dma_start3A_49 = tpu.memref_squeeze %dma_start3A_48 : memref<1x!tpu.dma_semaphore, #tpu.memory_space<semaphore_mem>> -> memref<!tpu.dma_semaphore, #tpu.memory_space<semaphore_mem>>
      %dma_start3A_50 = arith.constant 0 : i32
      %dma_start3A_51 = arith.constant 0 : i32
      %dma_start3A_52 = arith.constant 0 : i32
      %dma_start3A_53 = tpu.memref_slice %run_scoped3A[%rem3A_38, %dma_start3A_50, %dma_start3A_51, %dma_start3A_52] : memref<2x1x1x64xi32, #tpu.memory_space<vmem>> -> memref<1x1x1x64xi32, #tpu.memory_space<vmem>>
      %dma_start3A_54 = tpu.memref_squeeze %dma_start3A_53 : memref<1x1x1x64xi32, #tpu.memory_space<vmem>> -> memref<1x1x64xi32, #tpu.memory_space<vmem>>
      %dma_start3A_55 = arith.constant 0 : i32
      %dma_start3A_56 = arith.constant 0 : i32
      %dma_start3A_57 = tpu.memref_slice %arg3[%mul3A_40, %dma_start3A_55, %dma_start3A_56] : memref<1920x1x64xi32, #tpu.memory_space<hbm>> -> memref<1x1x64xi32, #tpu.memory_space<hbm>>
      tpu.enqueue_dma source(%dma_start3A_57 : memref<1x1x64xi32, #tpu.memory_space<hbm>>) target(%dma_start3A_54 : memref<1x1x64xi32, #tpu.memory_space<vmem>>) target_semaphore(%dma_start3A_49 : memref<!tpu.dma_semaphore, #tpu.memory_space<semaphore_mem>>)
      %add3A_58 = arith.constant 0 : i32
      %add3A_59 = arith.constant 1 : i32
      %add3A_60 = arith.addi %add3A_58, %add3A_59 : i32
      %select_n3A_61 = arith.constant true
      %select_n3A_62 = arith.constant 0 : i32
      %select_n3A_63 = arith.select %select_n3A_61, %add3A_60, %select_n3A_62 : i32
      "tpu.trace_stop"() : () -> ()
      %scan3A = arith.constant 0 : i32
      %scan3A_64 = arith.constant 0 : i32
      %scan3A_65 = arith.constant 0 : i32
      %scan3A_66 = arith.constant 0 : i32
      %scan3A_67 = arith.constant 0 : i32
      %scan3A_68 = arith.constant 60 : i32
      %scan3A_69 = arith.addi %scan3A_67, %scan3A_68 : i32
      %scan3A_70 = arith.constant 1 : i32
      %scan3A_71:5 = scf.for %scan3A_125 = %scan3A_67 to %scan3A_69 step %scan3A_70 iter_args(%scan3A_126 = %select_n3A_63, %scan3A_127 = %scan3A, %scan3A_128 = %scan3A_64, %scan3A_129 = %scan3A_65, %scan3A_130 = %scan3A_66) -> (i32, i32, i32, i32, i32)  : i32 {
        %eq3A_131 = arith.constant 0 : i32
        %eq3A_132 = arith.cmpi eq, %scan3A_125, %eq3A_131 : i32
        %eq3A_133 = arith.constant 59 : i32
        %eq3A_134 = arith.cmpi eq, %scan3A_125, %eq3A_133 : i32
        %add3A_135 = arith.addi %scan3A_130, %mul3A_6 : i32
        %sub3A_136 = arith.constant 1 : i32
        %sub3A_137 = arith.subi %scan3A_130, %sub3A_136 : i32
        %select_n3A_138 = arith.constant true
        %select_n3A_139 = arith.select %select_n3A_138, %sub3A_137, %scan3A_130 : i32
        %eq3A_140 = arith.constant -1 : i32
        %eq3A_141 = arith.cmpi eq, %select_n3A_139, %eq3A_140 : i32
        %select_n3A_142 = arith.constant 59 : i32
        %select_n3A_143 = arith.select %eq3A_141, %select_n3A_142, %select_n3A_139 : i32
        %add3A_144 = arith.addi %select_n3A_143, %mul3A_6 : i32
        %add3A_145 = arith.constant 1 : i32
        %add3A_146 = arith.addi %scan3A_130, %add3A_145 : i32
        %select_n3A_147 = arith.constant true
        %select_n3A_148 = arith.select %select_n3A_147, %add3A_146, %scan3A_130 : i32
        %eq3A_149 = arith.constant 60 : i32
        %eq3A_150 = arith.cmpi eq, %select_n3A_148, %eq3A_149 : i32
        %select_n3A_151 = arith.constant 0 : i32
        %select_n3A_152 = arith.select %eq3A_150, %select_n3A_151, %select_n3A_148 : i32
        %add3A_153 = arith.addi %select_n3A_152, %mul3A_6 : i32
        %add3A_154 = arith.constant 1 : i32
        %add3A_155 = arith.addi %select_n3A_152, %add3A_154 : i32
        %select_n3A_156 = arith.constant true
        %select_n3A_157 = arith.select %select_n3A_156, %add3A_155, %select_n3A_152 : i32
        %eq3A_158 = arith.constant 60 : i32
        %eq3A_159 = arith.cmpi eq, %select_n3A_157, %eq3A_158 : i32
        %select_n3A_160 = arith.constant 0 : i32
        %select_n3A_161 = arith.select %eq3A_159, %select_n3A_160, %select_n3A_157 : i32
        %add3A_162 = arith.addi %select_n3A_161, %mul3A_6 : i32
        %ne3A = arith.cmpi ne, %add3A_135, %add3A_153 : i32
        %or3A = arith.constant false
        %or3A_163 = arith.ori %or3A, %ne3A : i1
        %or3A_164 = arith.constant false
        %or3A_165 = arith.ori %or3A_163, %or3A_164 : i1
        %or3A_166 = arith.constant false
        %or3A_167 = arith.ori %or3A_165, %or3A_166 : i1
        %ge3A = arith.constant 59 : i32
        %ge3A_168 = arith.cmpi sge, %scan3A_125, %ge3A : i32
        %not3A = arith.constant true
        %not3A_169 = arith.xori %ge3A_168, %not3A : i1
        %and3A = arith.andi %or3A_167, %not3A_169 : i1
        %convert_element_type3A = arith.extui %and3A : i1 to i32
        %cond3A = arith.constant 0 : i32
        %cond3A_170 = arith.cmpi ne, %convert_element_type3A, %cond3A : i32
        scf.if %cond3A_170 {
          "tpu.trace_start"() <{level = 10 : i32, message = "ep_copy_in"}> : () -> ()
          %rem3A_289 = arith.constant 2 : i32
          %rem3A_290 = arith.remui %scan3A_126, %rem3A_289 : i32
          %mul3A_291 = arith.constant 1 : i32
          %mul3A_292 = arith.muli %mul3A_291, %add3A_153 : i32
          %dma_start3A_293 = arith.constant 0 : i32
          %dma_start3A_294 = arith.constant 0 : i32
          %dma_start3A_295 = arith.constant 0 : i32
          %dma_start3A_296 = tpu.memref_slice %run_scoped3A[%rem3A_290, %dma_start3A_293, %dma_start3A_294, %dma_start3A_295] : memref<2x1x1x64xi32, #tpu.memory_space<vmem>> -> memref<1x1x1x64xi32, #tpu.memory_space<vmem>>
          %dma_start3A_297 = tpu.memref_squeeze %dma_start3A_296 : memref<1x1x1x64xi32, #tpu.memory_space<vmem>> -> memref<1x1x64xi32, #tpu.memory_space<vmem>>
          %dma_start3A_298 = arith.constant 0 : i32
          %dma_start3A_299 = arith.constant 0 : i32
          %dma_start3A_300 = tpu.memref_slice %arg3[%mul3A_292, %dma_start3A_298, %dma_start3A_299] : memref<1920x1x64xi32, #tpu.memory_space<hbm>> -> memref<1x1x64xi32, #tpu.memory_space<hbm>>
          %dma_start3A_301 = tpu.memref_slice %run_scoped3A_7[%rem3A_290] : memref<2x!tpu.dma_semaphore, #tpu.memory_space<semaphore_mem>> -> memref<1x!tpu.dma_semaphore, #tpu.memory_space<semaphore_mem>>
          %dma_start3A_302 = tpu.memref_squeeze %dma_start3A_301 : memref<1x!tpu.dma_semaphore, #tpu.memory_space<semaphore_mem>> -> memref<!tpu.dma_semaphore, #tpu.memory_space<semaphore_mem>>
          %dma_start3A_303 = arith.constant 0 : i32
          %dma_start3A_304 = arith.constant 0 : i32
          %dma_start3A_305 = arith.constant 0 : i32
          %dma_start3A_306 = tpu.memref_slice %run_scoped3A[%rem3A_290, %dma_start3A_303, %dma_start3A_304, %dma_start3A_305] : memref<2x1x1x64xi32, #tpu.memory_space<vmem>> -> memref<1x1x1x64xi32, #tpu.memory_space<vmem>>
          %dma_start3A_307 = tpu.memref_squeeze %dma_start3A_306 : memref<1x1x1x64xi32, #tpu.memory_space<vmem>> -> memref<1x1x64xi32, #tpu.memory_space<vmem>>
          %dma_start3A_308 = arith.constant 0 : i32
          %dma_start3A_309 = arith.constant 0 : i32
          %dma_start3A_310 = tpu.memref_slice %arg3[%mul3A_292, %dma_start3A_308, %dma_start3A_309] : memref<1920x1x64xi32, #tpu.memory_space<hbm>> -> memref<1x1x64xi32, #tpu.memory_space<hbm>>
          tpu.enqueue_dma source(%dma_start3A_310 : memref<1x1x64xi32, #tpu.memory_space<hbm>>) target(%dma_start3A_307 : memref<1x1x64xi32, #tpu.memory_space<vmem>>) target_semaphore(%dma_start3A_302 : memref<!tpu.dma_semaphore, #tpu.memory_space<semaphore_mem>>)
          "tpu.trace_stop"() : () -> ()
        } else {
        }
        %and3A_171 = arith.constant true
        %and3A_172 = arith.andi %and3A, %and3A_171 : i1
        %add3A_173 = arith.constant 1 : i32
        %add3A_174 = arith.addi %scan3A_126, %add3A_173 : i32
        %select_n3A_175 = arith.select %and3A_172, %add3A_174, %scan3A_126 : i32
        %ne3A_176 = arith.cmpi ne, %add3A_135, %add3A_153 : i32
        %or3A_177 = arith.constant false
        %or3A_178 = arith.ori %or3A_177, %ne3A_176 : i1
        %or3A_179 = arith.constant false
        %or3A_180 = arith.ori %or3A_178, %or3A_179 : i1
        %ge3A_181 = arith.constant 59 : i32
        %ge3A_182 = arith.cmpi sge, %scan3A_125, %ge3A_181 : i32
        %not3A_183 = arith.constant true
        %not3A_184 = arith.xori %ge3A_182, %not3A_183 : i1
        %and3A_185 = arith.andi %or3A_180, %not3A_184 : i1
        %ne3A_186 = arith.cmpi ne, %add3A_135, %add3A_144 : i32
        %or3A_187 = arith.constant false
        %or3A_188 = arith.ori %or3A_187, %ne3A_186 : i1
        %or3A_189 = arith.constant false
        %or3A_190 = arith.ori %or3A_188, %or3A_189 : i1
        %or3A_191 = arith.constant false
        %or3A_192 = arith.ori %or3A_190, %or3A_191 : i1
        %or3A_193 = arith.ori %or3A_192, %eq3A_132 : i1
        %convert_element_type3A_194 = arith.extui %or3A_193 : i1 to i32
        %cond3A_195 = arith.constant 0 : i32
        %cond3A_196 = arith.cmpi ne, %convert_element_type3A_194, %cond3A_195 : i32
        scf.if %cond3A_196 {
          "tpu.trace_start"() <{level = 10 : i32, message = "ep_wait_in"}> : () -> ()
          %mul3A_289 = arith.constant 1 : i32
          %mul3A_290 = arith.muli %mul3A_289, %add3A_135 : i32
          %rem3A_291 = arith.constant 2 : i32
          %rem3A_292 = arith.remui %scan3A_127, %rem3A_291 : i32
          %dma_wait3A_293 = arith.constant 0 : i32
          %dma_wait3A_294 = arith.constant 0 : i32
          %dma_wait3A_295 = arith.constant 0 : i32
          %dma_wait3A_296 = tpu.memref_slice %run_scoped3A[%rem3A_292, %dma_wait3A_293, %dma_wait3A_294, %dma_wait3A_295] : memref<2x1x1x64xi32, #tpu.memory_space<vmem>> -> memref<1x1x1x64xi32, #tpu.memory_space<vmem>>
          %dma_wait3A_297 = tpu.memref_squeeze %dma_wait3A_296 : memref<1x1x1x64xi32, #tpu.memory_space<vmem>> -> memref<1x1x64xi32, #tpu.memory_space<vmem>>
          %dma_wait3A_298 = arith.constant 0 : i32
          %dma_wait3A_299 = arith.constant 0 : i32
          %dma_wait3A_300 = tpu.memref_slice %arg3[%mul3A_290, %dma_wait3A_298, %dma_wait3A_299] : memref<1920x1x64xi32, #tpu.memory_space<hbm>> -> memref<1x1x64xi32, #tpu.memory_space<hbm>>
          %dma_wait3A_301 = tpu.memref_slice %run_scoped3A_7[%rem3A_292] : memref<2x!tpu.dma_semaphore, #tpu.memory_space<semaphore_mem>> -> memref<1x!tpu.dma_semaphore, #tpu.memory_space<semaphore_mem>>
          %dma_wait3A_302 = tpu.memref_squeeze %dma_wait3A_301 : memref<1x!tpu.dma_semaphore, #tpu.memory_space<semaphore_mem>> -> memref<!tpu.dma_semaphore, #tpu.memory_space<semaphore_mem>>
          %dma_wait3A_303 = arith.constant 0 : i32
          %dma_wait3A_304 = arith.constant 0 : i32
          %dma_wait3A_305 = arith.constant 0 : i32
          %dma_wait3A_306 = tpu.memref_slice %run_scoped3A[%rem3A_292, %dma_wait3A_303, %dma_wait3A_304, %dma_wait3A_305] : memref<2x1x1x64xi32, #tpu.memory_space<vmem>> -> memref<1x1x1x64xi32, #tpu.memory_space<vmem>>
          %dma_wait3A_307 = tpu.memref_squeeze %dma_wait3A_306 : memref<1x1x1x64xi32, #tpu.memory_space<vmem>> -> memref<1x1x64xi32, #tpu.memory_space<vmem>>
          %dma_wait3A_308 = arith.constant 0 : i32
          %dma_wait3A_309 = arith.constant 0 : i32
          %dma_wait3A_310 = tpu.memref_slice %arg3[%mul3A_290, %dma_wait3A_308, %dma_wait3A_309] : memref<1920x1x64xi32, #tpu.memory_space<hbm>> -> memref<1x1x64xi32, #tpu.memory_space<hbm>>
          tpu.wait_dma2 semaphore(%dma_wait3A_302 : memref<!tpu.dma_semaphore, #tpu.memory_space<semaphore_mem>>) src(%dma_wait3A_310 : memref<1x1x64xi32, #tpu.memory_space<hbm>>) dst(%dma_wait3A_307 : memref<1x1x64xi32, #tpu.memory_space<vmem>>)
          "tpu.trace_stop"() : () -> ()
        } else {
        }
        %ne3A_197 = arith.cmpi ne, %add3A_135, %add3A_144 : i32
        %or3A_198 = arith.constant false
        %or3A_199 = arith.ori %or3A_198, %ne3A_197 : i1
        %or3A_200 = arith.constant false
        %or3A_201 = arith.ori %or3A_199, %or3A_200 : i1
        %or3A_202 = arith.ori %or3A_201, %eq3A_132 : i1
        %convert_element_type3A_203 = arith.extui %or3A_202 : i1 to i32
        %cond3A_204 = arith.constant 0 : i32
        %cond3A_205 = arith.cmpi ne, %convert_element_type3A_203, %cond3A_204 : i32
        scf.if %cond3A_205 {
        } else {
        }
        %rem3A_206 = arith.constant 2 : i32
        %rem3A_207 = arith.remui %scan3A_127, %rem3A_206 : i32
        %rem3A_208 = arith.constant 2 : i32
        %rem3A_209 = arith.remui %scan3A_128, %rem3A_208 : i32
        %run_scoped3A_210 = arith.constant 0 : i32
        %run_scoped3A_211 = arith.constant 0 : i32
        "tpu.trace_start"() <{level = 10 : i32, message = "ep_run_kernel"}> : () -> ()
        "tpu.region"() ({
          %run_scoped3A_289 = tpu.sem_alloc : memref<!tpu.dma_semaphore, #tpu.memory_space<semaphore_mem>>
          %dma_start3A_290 = arith.constant 0 : i32
          %dma_start3A_291 = arith.constant 0 : i32
          %dma_start3A_292 = tpu.memref_slice %run_scoped3A_8[%rem3A_209, %dma_start3A_290, %dma_start3A_291] : memref<2x64x768xf32, #tpu.memory_space<vmem>> -> memref<1x64x768xf32, #tpu.memory_space<vmem>>
          %dma_start3A_293 = tpu.memref_squeeze %dma_start3A_292 : memref<1x64x768xf32, #tpu.memory_space<vmem>> -> memref<64x768xf32, #tpu.memory_space<vmem>>
          %dma_start3A_294 = arith.constant 0 : i32
          %dma_start3A_295 = arith.constant 0 : i32
          %dma_start3A_296 = arith.constant 0 : i32
          %dma_start3A_297 = tpu.memref_slice %run_scoped3A[%rem3A_207, %dma_start3A_294, %dma_start3A_295, %dma_start3A_296] : memref<2x1x1x64xi32, #tpu.memory_space<vmem>> -> memref<1x1x1x64xi32, #tpu.memory_space<vmem>>
          %dma_start3A_298 = tpu.memref_squeeze %dma_start3A_297 : memref<1x1x1x64xi32, #tpu.memory_space<vmem>> -> memref<1x1x64xi32, #tpu.memory_space<vmem>>
          %dma_start3A_299 = arith.constant 0 : i32
          %dma_start3A_300 = tpu.memref_slice %dma_start3A_298[%run_scoped3A_210, %run_scoped3A_211, %dma_start3A_299] : memref<1x1x64xi32, #tpu.memory_space<vmem>> -> memref<1x1x64xi32, #tpu.memory_space<vmem>>
          %dma_start3A_301 = tpu.memref_squeeze %dma_start3A_300 : memref<1x1x64xi32, #tpu.memory_space<vmem>> -> memref<64xi32, #tpu.memory_space<vmem>>
          %dma_start3A_302 = arith.constant 0 : i32
          %dma_start3A_303 = arith.constant 0 : i32
          %dma_start3A_304 = tpu.memref_slice %arg2[%dma_start3A_302, %dma_start3A_303] : memref<6240x768xf32, #tpu.memory_space<hbm>> -> memref<6240x768xf32, #tpu.memory_space<hbm>>
          tpu.enqueue_indirect_dma source(%dma_start3A_304 : memref<6240x768xf32, #tpu.memory_space<hbm>>) target(%dma_start3A_293 : memref<64x768xf32, #tpu.memory_space<vmem>>) offsets(%dma_start3A_301 : memref<64xi32, #tpu.memory_space<vmem>>) semaphore(%run_scoped3A_289 : memref<!tpu.dma_semaphore, #tpu.memory_space<semaphore_mem>>)
          %dma_wait3A_305 = arith.constant 0 : i32
          %dma_wait3A_306 = arith.constant 0 : i32
          %dma_wait3A_307 = tpu.memref_slice %run_scoped3A_8[%rem3A_209, %dma_wait3A_305, %dma_wait3A_306] : memref<2x64x768xf32, #tpu.memory_space<vmem>> -> memref<1x64x768xf32, #tpu.memory_space<vmem>>
          %dma_wait3A_308 = tpu.memref_squeeze %dma_wait3A_307 : memref<1x64x768xf32, #tpu.memory_space<vmem>> -> memref<64x768xf32, #tpu.memory_space<vmem>>
          %dma_wait3A_309 = arith.constant 0 : i32
          %dma_wait3A_310 = arith.constant 0 : i32
          %dma_wait3A_311 = arith.constant 0 : i32
          %dma_wait3A_312 = tpu.memref_slice %run_scoped3A[%rem3A_207, %dma_wait3A_309, %dma_wait3A_310, %dma_wait3A_311] : memref<2x1x1x64xi32, #tpu.memory_space<vmem>> -> memref<1x1x1x64xi32, #tpu.memory_space<vmem>>
          %dma_wait3A_313 = tpu.memref_squeeze %dma_wait3A_312 : memref<1x1x1x64xi32, #tpu.memory_space<vmem>> -> memref<1x1x64xi32, #tpu.memory_space<vmem>>
          %dma_wait3A_314 = arith.constant 0 : i32
          %dma_wait3A_315 = tpu.memref_slice %dma_wait3A_313[%run_scoped3A_210, %run_scoped3A_211, %dma_wait3A_314] : memref<1x1x64xi32, #tpu.memory_space<vmem>> -> memref<1x1x64xi32, #tpu.memory_space<vmem>>
          %dma_wait3A_316 = tpu.memref_squeeze %dma_wait3A_315 : memref<1x1x64xi32, #tpu.memory_space<vmem>> -> memref<64xi32, #tpu.memory_space<vmem>>
          %dma_wait3A_317 = arith.constant 0 : i32
          %dma_wait3A_318 = arith.constant 0 : i32
          %dma_wait3A_319 = tpu.memref_slice %arg2[%dma_wait3A_317, %dma_wait3A_318] : memref<6240x768xf32, #tpu.memory_space<hbm>> -> memref<6240x768xf32, #tpu.memory_space<hbm>>
          tpu.wait_indirect_dma semaphore(%run_scoped3A_289 : memref<!tpu.dma_semaphore, #tpu.memory_space<semaphore_mem>>) src(%dma_wait3A_319 : memref<6240x768xf32, #tpu.memory_space<hbm>>) dst(%dma_wait3A_308 : memref<64x768xf32, #tpu.memory_space<vmem>>)
          tpu.yield
        }) : () -> ()
        "tpu.trace_stop"() : () -> ()
        %ne3A_212 = arith.cmpi ne, %add3A_135, %add3A_153 : i32
        %or3A_213 = arith.constant false
        %or3A_214 = arith.ori %or3A_213, %ne3A_212 : i1
        %or3A_215 = arith.constant false
        %or3A_216 = arith.ori %or3A_214, %or3A_215 : i1
        %or3A_217 = arith.constant false
        %or3A_218 = arith.ori %or3A_216, %or3A_217 : i1
        %or3A_219 = arith.ori %or3A_218, %eq3A_134 : i1
        %convert_element_type3A_220 = arith.extui %or3A_219 : i1 to i32
        %cond3A_221 = arith.constant 0 : i32
        %cond3A_222 = arith.cmpi ne, %convert_element_type3A_220, %cond3A_221 : i32
        scf.if %cond3A_222 {
        } else {
        }
        %and3A_223 = arith.constant false
        %and3A_224 = arith.andi %or3A_219, %and3A_223 : i1
        %ne3A_225 = arith.cmpi ne, %add3A_135, %add3A_153 : i32
        %or3A_226 = arith.constant false
        %or3A_227 = arith.ori %or3A_226, %ne3A_225 : i1
        %or3A_228 = arith.constant false
        %or3A_229 = arith.ori %or3A_227, %or3A_228 : i1
        %or3A_230 = arith.ori %or3A_229, %eq3A_134 : i1
        %convert_element_type3A_231 = arith.extui %or3A_230 : i1 to i32
        %cond3A_232 = arith.constant 0 : i32
        %cond3A_233 = arith.cmpi ne, %convert_element_type3A_231, %cond3A_232 : i32
        scf.if %cond3A_233 {
          "tpu.trace_start"() <{level = 10 : i32, message = "ep_copy_out"}> : () -> ()
          %rem3A_289 = arith.constant 2 : i32
          %rem3A_290 = arith.remui %scan3A_128, %rem3A_289 : i32
          %mul3A_291 = arith.constant 64 : i32
          %mul3A_292 = arith.muli %mul3A_291, %add3A_135 : i32
          %dma_start3A_293 = arith.constant 0 : i32
          %dma_start3A_294 = arith.constant 0 : i32
          %dma_start3A_295 = tpu.memref_slice %run_scoped3A_8[%rem3A_290, %dma_start3A_293, %dma_start3A_294] : memref<2x64x768xf32, #tpu.memory_space<vmem>> -> memref<1x64x768xf32, #tpu.memory_space<vmem>>
          %dma_start3A_296 = tpu.memref_squeeze %dma_start3A_295 : memref<1x64x768xf32, #tpu.memory_space<vmem>> -> memref<64x768xf32, #tpu.memory_space<vmem>>
          %dma_start3A_297 = arith.constant 0 : i32
          %dma_start3A_298 = tpu.memref_slice %arg4[%mul3A_292, %dma_start3A_297] : memref<122880x768xf32, #tpu.memory_space<hbm>> -> memref<64x768xf32, #tpu.memory_space<hbm>>
          %dma_start3A_299 = tpu.memref_slice %run_scoped3A_9[%rem3A_290] : memref<2x!tpu.dma_semaphore, #tpu.memory_space<semaphore_mem>> -> memref<1x!tpu.dma_semaphore, #tpu.memory_space<semaphore_mem>>
          %dma_start3A_300 = tpu.memref_squeeze %dma_start3A_299 : memref<1x!tpu.dma_semaphore, #tpu.memory_space<semaphore_mem>> -> memref<!tpu.dma_semaphore, #tpu.memory_space<semaphore_mem>>
          %dma_start3A_301 = arith.constant 0 : i32
          %dma_start3A_302 = tpu.memref_slice %arg4[%mul3A_292, %dma_start3A_301] : memref<122880x768xf32, #tpu.memory_space<hbm>> -> memref<64x768xf32, #tpu.memory_space<hbm>>
          %dma_start3A_303 = arith.constant 0 : i32
          %dma_start3A_304 = arith.constant 0 : i32
          %dma_start3A_305 = tpu.memref_slice %run_scoped3A_8[%rem3A_290, %dma_start3A_303, %dma_start3A_304] : memref<2x64x768xf32, #tpu.memory_space<vmem>> -> memref<1x64x768xf32, #tpu.memory_space<vmem>>
          %dma_start3A_306 = tpu.memref_squeeze %dma_start3A_305 : memref<1x64x768xf32, #tpu.memory_space<vmem>> -> memref<64x768xf32, #tpu.memory_space<vmem>>
          tpu.enqueue_dma source(%dma_start3A_306 : memref<64x768xf32, #tpu.memory_space<vmem>>) target(%dma_start3A_302 : memref<64x768xf32, #tpu.memory_space<hbm>>) target_semaphore(%dma_start3A_300 : memref<!tpu.dma_semaphore, #tpu.memory_space<semaphore_mem>>)
          "tpu.trace_stop"() : () -> ()
        } else {
        }
        %and3A_234 = arith.constant true
        %and3A_235 = arith.andi %or3A_230, %and3A_234 : i1
        %add3A_236 = arith.constant 1 : i32
        %add3A_237 = arith.addi %scan3A_128, %add3A_236 : i32
        %select_n3A_238 = arith.select %and3A_235, %add3A_237, %scan3A_128 : i32
        %ne3A_239 = arith.cmpi ne, %add3A_135, %add3A_144 : i32
        %or3A_240 = arith.constant false
        %or3A_241 = arith.ori %or3A_240, %ne3A_239 : i1
        %or3A_242 = arith.constant false
        %or3A_243 = arith.ori %or3A_241, %or3A_242 : i1
        %or3A_244 = arith.constant false
        %or3A_245 = arith.ori %or3A_243, %or3A_244 : i1
        %not3A_246 = arith.constant true
        %not3A_247 = arith.xori %eq3A_132, %not3A_246 : i1
        %and3A_248 = arith.andi %or3A_245, %not3A_247 : i1
        %convert_element_type3A_249 = arith.extui %and3A_248 : i1 to i32
        %cond3A_250 = arith.constant 0 : i32
        %cond3A_251 = arith.cmpi ne, %convert_element_type3A_249, %cond3A_250 : i32
        scf.if %cond3A_251 {
        } else {
        }
        %and3A_252 = arith.constant false
        %and3A_253 = arith.andi %and3A_248, %and3A_252 : i1
        %ne3A_254 = arith.cmpi ne, %add3A_135, %add3A_144 : i32
        %or3A_255 = arith.constant false
        %or3A_256 = arith.ori %or3A_255, %ne3A_254 : i1
        %or3A_257 = arith.constant false
        %or3A_258 = arith.ori %or3A_256, %or3A_257 : i1
        %not3A_259 = arith.constant true
        %not3A_260 = arith.xori %eq3A_132, %not3A_259 : i1
        %and3A_261 = arith.andi %or3A_258, %not3A_260 : i1
        %convert_element_type3A_262 = arith.extui %and3A_261 : i1 to i32
        %cond3A_263 = arith.constant 0 : i32
        %cond3A_264 = arith.cmpi ne, %convert_element_type3A_262, %cond3A_263 : i32
        scf.if %cond3A_264 {
          "tpu.trace_start"() <{level = 10 : i32, message = "ep_wait_out"}> : () -> ()
          %rem3A_289 = arith.constant 2 : i32
          %rem3A_290 = arith.remui %scan3A_129, %rem3A_289 : i32
          %mul3A_291 = arith.constant 64 : i32
          %mul3A_292 = arith.muli %mul3A_291, %add3A_144 : i32
          %dma_wait3A_293 = arith.constant 0 : i32
          %dma_wait3A_294 = arith.constant 0 : i32
          %dma_wait3A_295 = tpu.memref_slice %run_scoped3A_8[%rem3A_290, %dma_wait3A_293, %dma_wait3A_294] : memref<2x64x768xf32, #tpu.memory_space<vmem>> -> memref<1x64x768xf32, #tpu.memory_space<vmem>>
          %dma_wait3A_296 = tpu.memref_squeeze %dma_wait3A_295 : memref<1x64x768xf32, #tpu.memory_space<vmem>> -> memref<64x768xf32, #tpu.memory_space<vmem>>
          %dma_wait3A_297 = arith.constant 0 : i32
          %dma_wait3A_298 = tpu.memref_slice %arg4[%mul3A_292, %dma_wait3A_297] : memref<122880x768xf32, #tpu.memory_space<hbm>> -> memref<64x768xf32, #tpu.memory_space<hbm>>
          %dma_wait3A_299 = tpu.memref_slice %run_scoped3A_9[%rem3A_290] : memref<2x!tpu.dma_semaphore, #tpu.memory_space<semaphore_mem>> -> memref<1x!tpu.dma_semaphore, #tpu.memory_space<semaphore_mem>>
          %dma_wait3A_300 = tpu.memref_squeeze %dma_wait3A_299 : memref<1x!tpu.dma_semaphore, #tpu.memory_space<semaphore_mem>> -> memref<!tpu.dma_semaphore, #tpu.memory_space<semaphore_mem>>
          %dma_wait3A_301 = arith.constant 0 : i32
          %dma_wait3A_302 = tpu.memref_slice %arg4[%mul3A_292, %dma_wait3A_301] : memref<122880x768xf32, #tpu.memory_space<hbm>> -> memref<64x768xf32, #tpu.memory_space<hbm>>
          %dma_wait3A_303 = arith.constant 0 : i32
          %dma_wait3A_304 = arith.constant 0 : i32
          %dma_wait3A_305 = tpu.memref_slice %run_scoped3A_8[%rem3A_290, %dma_wait3A_303, %dma_wait3A_304] : memref<2x64x768xf32, #tpu.memory_space<vmem>> -> memref<1x64x768xf32, #tpu.memory_space<vmem>>
          %dma_wait3A_306 = tpu.memref_squeeze %dma_wait3A_305 : memref<1x64x768xf32, #tpu.memory_space<vmem>> -> memref<64x768xf32, #tpu.memory_space<vmem>>
          tpu.wait_dma2 semaphore(%dma_wait3A_300 : memref<!tpu.dma_semaphore, #tpu.memory_space<semaphore_mem>>) src(%dma_wait3A_306 : memref<64x768xf32, #tpu.memory_space<vmem>>) dst(%dma_wait3A_302 : memref<64x768xf32, #tpu.memory_space<hbm>>)
          "tpu.trace_stop"() : () -> ()
        } else {
        }
        %and3A_265 = arith.constant true
        %and3A_266 = arith.andi %and3A_261, %and3A_265 : i1
        %add3A_267 = arith.constant 1 : i32
        %add3A_268 = arith.addi %scan3A_129, %add3A_267 : i32
        %select_n3A_269 = arith.select %and3A_266, %add3A_268, %scan3A_129 : i32
        %ne3A_270 = arith.cmpi ne, %add3A_135, %add3A_153 : i32
        %or3A_271 = arith.constant false
        %or3A_272 = arith.ori %or3A_271, %ne3A_270 : i1
        %or3A_273 = arith.constant false
        %or3A_274 = arith.ori %or3A_272, %or3A_273 : i1
        %or3A_275 = arith.constant false
        %or3A_276 = arith.ori %or3A_274, %or3A_275 : i1
        %or3A_277 = arith.ori %or3A_276, %eq3A_134 : i1
        %add3A_278 = arith.constant 1 : i32
        %add3A_279 = arith.addi %scan3A_127, %add3A_278 : i32
        %select_n3A_280 = arith.select %or3A_277, %add3A_279, %scan3A_127 : i32
        %add3A_281 = arith.constant 1 : i32
        %add3A_282 = arith.addi %scan3A_130, %add3A_281 : i32
        %select_n3A_283 = arith.constant true
        %select_n3A_284 = arith.select %select_n3A_283, %add3A_282, %scan3A_130 : i32
        %eq3A_285 = arith.constant 60 : i32
        %eq3A_286 = arith.cmpi eq, %select_n3A_284, %eq3A_285 : i32
        %select_n3A_287 = arith.constant 0 : i32
        %select_n3A_288 = arith.select %eq3A_286, %select_n3A_287, %select_n3A_284 : i32
        scf.yield %select_n3A_175, %select_n3A_280, %select_n3A_238, %select_n3A_269, %select_n3A_288 : i32, i32, i32, i32, i32
      }
      %scan3A_72 = arith.constant 60 : i32
      %sub3A = arith.constant 1 : i32
      %sub3A_73 = arith.subi %scan3A_71#4, %sub3A : i32
      %select_n3A_74 = arith.constant true
      %select_n3A_75 = arith.select %select_n3A_74, %sub3A_73, %scan3A_71#4 : i32
      %eq3A_76 = arith.constant -1 : i32
      %eq3A_77 = arith.cmpi eq, %select_n3A_75, %eq3A_76 : i32
      %select_n3A_78 = arith.constant 59 : i32
      %select_n3A_79 = arith.select %eq3A_77, %select_n3A_78, %select_n3A_75 : i32
      %add3A_80 = arith.addi %select_n3A_79, %mul3A_6 : i32
      %sub3A_81 = arith.constant 1 : i32
      %sub3A_82 = arith.subi %select_n3A_79, %sub3A_81 : i32
      %select_n3A_83 = arith.constant true
      %select_n3A_84 = arith.select %select_n3A_83, %sub3A_82, %select_n3A_79 : i32
      %eq3A_85 = arith.constant -1 : i32
      %eq3A_86 = arith.cmpi eq, %select_n3A_84, %eq3A_85 : i32
      %select_n3A_87 = arith.constant 59 : i32
      %select_n3A_88 = arith.select %eq3A_86, %select_n3A_87, %select_n3A_84 : i32
      %add3A_89 = arith.addi %select_n3A_88, %mul3A_6 : i32
      %add3A_90 = arith.constant 1 : i32
      %add3A_91 = arith.addi %select_n3A_79, %add3A_90 : i32
      %select_n3A_92 = arith.constant true
      %select_n3A_93 = arith.select %select_n3A_92, %add3A_91, %select_n3A_79 : i32
      %eq3A_94 = arith.constant 60 : i32
      %eq3A_95 = arith.cmpi eq, %select_n3A_93, %eq3A_94 : i32
      %select_n3A_96 = arith.constant 0 : i32
      %select_n3A_97 = arith.select %eq3A_95, %select_n3A_96, %select_n3A_93 : i32
      %add3A_98 = arith.addi %select_n3A_97, %mul3A_6 : i32
      %add3A_99 = arith.constant 1 : i32
      %add3A_100 = arith.addi %select_n3A_97, %add3A_99 : i32
      %select_n3A_101 = arith.constant true
      %select_n3A_102 = arith.select %select_n3A_101, %add3A_100, %select_n3A_97 : i32
      %eq3A_103 = arith.constant 60 : i32
      %eq3A_104 = arith.cmpi eq, %select_n3A_102, %eq3A_103 : i32
      %select_n3A_105 = arith.constant 0 : i32
      %select_n3A_106 = arith.select %eq3A_104, %select_n3A_105, %select_n3A_102 : i32
      %add3A_107 = arith.addi %select_n3A_106, %mul3A_6 : i32
      "tpu.trace_start"() <{level = 10 : i32, message = "ep_finalize"}> : () -> ()
      %rem3A_108 = arith.constant 2 : i32
      %rem3A_109 = arith.remui %scan3A_71#3, %rem3A_108 : i32
      %mul3A_110 = arith.constant 64 : i32
      %mul3A_111 = arith.muli %mul3A_110, %add3A_80 : i32
      %dma_wait3A = arith.constant 0 : i32
      %dma_wait3A_112 = arith.constant 0 : i32
      %dma_wait3A_113 = tpu.memref_slice %run_scoped3A_8[%rem3A_109, %dma_wait3A, %dma_wait3A_112] : memref<2x64x768xf32, #tpu.memory_space<vmem>> -> memref<1x64x768xf32, #tpu.memory_space<vmem>>
      %dma_wait3A_114 = tpu.memref_squeeze %dma_wait3A_113 : memref<1x64x768xf32, #tpu.memory_space<vmem>> -> memref<64x768xf32, #tpu.memory_space<vmem>>
      %dma_wait3A_115 = arith.constant 0 : i32
      %dma_wait3A_116 = tpu.memref_slice %arg4[%mul3A_111, %dma_wait3A_115] : memref<122880x768xf32, #tpu.memory_space<hbm>> -> memref<64x768xf32, #tpu.memory_space<hbm>>
      %dma_wait3A_117 = tpu.memref_slice %run_scoped3A_9[%rem3A_109] : memref<2x!tpu.dma_semaphore, #tpu.memory_space<semaphore_mem>> -> memref<1x!tpu.dma_semaphore, #tpu.memory_space<semaphore_mem>>
      %dma_wait3A_118 = tpu.memref_squeeze %dma_wait3A_117 : memref<1x!tpu.dma_semaphore, #tpu.memory_space<semaphore_mem>> -> memref<!tpu.dma_semaphore, #tpu.memory_space<semaphore_mem>>
      %dma_wait3A_119 = arith.constant 0 : i32
      %dma_wait3A_120 = tpu.memref_slice %arg4[%mul3A_111, %dma_wait3A_119] : memref<122880x768xf32, #tpu.memory_space<hbm>> -> memref<64x768xf32, #tpu.memory_space<hbm>>
      %dma_wait3A_121 = arith.constant 0 : i32
      %dma_wait3A_122 = arith.constant 0 : i32
      %dma_wait3A_123 = tpu.memref_slice %run_scoped3A_8[%rem3A_109, %dma_wait3A_121, %dma_wait3A_122] : memref<2x64x768xf32, #tpu.memory_space<vmem>> -> memref<1x64x768xf32, #tpu.memory_space<vmem>>
      %dma_wait3A_124 = tpu.memref_squeeze %dma_wait3A_123 : memref<1x64x768xf32, #tpu.memory_space<vmem>> -> memref<64x768xf32, #tpu.memory_space<vmem>>
      tpu.wait_dma2 semaphore(%dma_wait3A_118 : memref<!tpu.dma_semaphore, #tpu.memory_space<semaphore_mem>>) src(%dma_wait3A_124 : memref<64x768xf32, #tpu.memory_space<vmem>>) dst(%dma_wait3A_120 : memref<64x768xf32, #tpu.memory_space<hbm>>)
      "tpu.trace_stop"() : () -> ()
      tpu.yield
    }) : () -> ()
    return
  }
}

module attributes {stable_mosaic.version = 14 : i64} {
  func.func @_idx_mask_body(%arg0: i32, %arg1: memref<30x512xi32, #tpu.memory_space<vmem>>, %arg2: memref<512x30xi32, #tpu.memory_space<vmem>>, %arg3: memref<30x512xi32, #tpu.memory_space<vmem>>, %arg4: memref<512x30xf32, #tpu.memory_space<vmem>>) attributes {dimension_semantics = [#tpu.dimension_semantics<arbitrary>], iteration_bounds = array<i64: 8>, scalar_prefetch = 0 : i64, scratch_operands = 0 : i64, tpu.core_type = #tpu.core_type<tc>, window_params = [{transform_indices = @transform_0, window_bounds = array<i64: 30, 512>}, {transform_indices = @transform_1, window_bounds = array<i64: 512, 30>}, {transform_indices = @transform_2, window_bounds = array<i64: 30, 512>}, {transform_indices = @transform_3, window_bounds = array<i64: 512, 30>}]} {
    %get3A = arith.constant 0 : index
    %get3A_0 = arith.constant 0 : index
    %get3A_1 = vector.load %arg1[%get3A, %get3A_0] : memref<30x512xi32, #tpu.memory_space<vmem>>, vector<30x512xi32>
    %jit3A = arith.constant 0 : i32
    %jit3A_2 = arith.constant 200 : i32
    %max3A = vector.broadcast %jit3A : i32 to vector<30x512xi32>
    %max3A_3 = arith.maxsi %max3A, %get3A_1 : vector<30x512xi32>
    %min3A = vector.broadcast %jit3A_2 : i32 to vector<30x512xi32>
    %min3A_4 = arith.minsi %min3A, %max3A_3 : vector<30x512xi32>
    %iota3A = tpu.iota {dimensions = array<i32: 0>} : vector<30x512xi32>
    %mul3A = arith.constant 208 : i32
    %mul3A_5 = vector.broadcast %mul3A : i32 to vector<30x512xi32>
    %mul3A_6 = arith.muli %iota3A, %mul3A_5 : vector<30x512xi32>
    %add3A = arith.addi %mul3A_6, %min3A_4 : vector<30x512xi32>
    %swap3A = arith.constant 0 : index
    %swap3A_7 = arith.constant 0 : index
    %swap3A_8 = vector.load %arg3[%swap3A, %swap3A_7] : memref<30x512xi32, #tpu.memory_space<vmem>>, vector<30x512xi32>
    tpu.vector_store %arg3[%swap3A, %swap3A_7], %add3A {strides = array<i32>} : memref<30x512xi32, #tpu.memory_space<vmem>>, vector<30x512xi32>,
    %get3A_9 = arith.constant 0 : index
    %get3A_10 = arith.constant 0 : index
    %get3A_11 = vector.load %arg2[%get3A_9, %get3A_10] : memref<512x30xi32, #tpu.memory_space<vmem>>, vector<512x30xi32>
    %gt3A = arith.constant 0 : i32
    %gt3A_12 = vector.broadcast %gt3A : i32 to vector<512x30xi32>
    %gt3A_13 = arith.cmpi sgt, %get3A_11, %gt3A_12 : vector<512x30xi32>
    %convert_element_type3A = arith.extui %gt3A_13 : vector<512x30xi1> to vector<512x30xi32>
    %convert_element_type3A_14 = arith.sitofp %convert_element_type3A : vector<512x30xi32> to vector<512x30xf32>
    %swap3A_15 = arith.constant 0 : index
    %swap3A_16 = arith.constant 0 : index
    %swap3A_17 = vector.load %arg4[%swap3A_15, %swap3A_16] : memref<512x30xf32, #tpu.memory_space<vmem>>, vector<512x30xf32>
    tpu.vector_store %arg4[%swap3A_15, %swap3A_16], %convert_element_type3A_14 {strides = array<i32>} : memref<512x30xf32, #tpu.memory_space<vmem>>, vector<512x30xf32>,
    return
  }
  func.func @transform_0(%arg0: i32) -> (i32, i32) {
    %c0_i32 = arith.constant 0 : i32
    %c0_i32_0 = arith.constant 0 : i32
    return %c0_i32, %arg0 : i32, i32
  }
  func.func @transform_1(%arg0: i32) -> (i32, i32) {
    %c0_i32 = arith.constant 0 : i32
    %c0_i32_0 = arith.constant 0 : i32
    return %arg0, %c0_i32 : i32, i32
  }
  func.func @transform_2(%arg0: i32) -> (i32, i32) {
    %c0_i32 = arith.constant 0 : i32
    %c0_i32_0 = arith.constant 0 : i32
    return %c0_i32, %arg0 : i32, i32
  }
  func.func @transform_3(%arg0: i32) -> (i32, i32) {
    %c0_i32 = arith.constant 0 : i32
    %c0_i32_0 = arith.constant 0 : i32
    return %arg0, %c0_i32 : i32, i32
  }
}

module attributes {stable_mosaic.version = 14 : i64} {
  func.func @_table_body(%arg0: i32, %arg1: memref<1x1x768xf32, #tpu.memory_space<vmem>>, %arg2: memref<1x1x768xf32, #tpu.memory_space<vmem>>, %arg3: memref<208x768xf32, #tpu.memory_space<vmem>>, %arg4: memref<1x768xf32, #tpu.memory_space<vmem>>, %arg5: memref<1x768xf32, #tpu.memory_space<vmem>>, %arg6: memref<1x208x768xf32, #tpu.memory_space<vmem>>) attributes {dimension_semantics = [#tpu.dimension_semantics<arbitrary>], iteration_bounds = array<i64: 30>, scalar_prefetch = 0 : i64, scratch_operands = 0 : i64, tpu.core_type = #tpu.core_type<tc>, window_params = [{transform_indices = @transform_0, window_bounds = array<i64: 1, 1, 768>}, {transform_indices = @transform_1, window_bounds = array<i64: 1, 1, 768>}, {pipeline_mode = #tpu.pipeline_mode<synchronous>, transform_indices = @transform_2, window_bounds = array<i64: 208, 768>}, {pipeline_mode = #tpu.pipeline_mode<synchronous>, transform_indices = @transform_3, window_bounds = array<i64: 1, 768>}, {pipeline_mode = #tpu.pipeline_mode<synchronous>, transform_indices = @transform_4, window_bounds = array<i64: 1, 768>}, {transform_indices = @transform_5, window_bounds = array<i64: 1, 208, 768>}]} {
    %get3A = arith.constant 0 : index
    %get3A_0 = arith.constant 0 : index
    %get3A_1 = arith.constant 0 : index
    %get3A_2 = vector.load %arg1[%get3A, %get3A_0, %get3A_1] : memref<1x1x768xf32, #tpu.memory_space<vmem>>, vector<1x1x768xf32>
    %get3A_3 = vector.shape_cast %get3A_2 : vector<1x1x768xf32> to vector<768xf32>
    %get3A_4 = arith.constant 0 : index
    %get3A_5 = arith.constant 0 : index
    %get3A_6 = arith.constant 0 : index
    %get3A_7 = vector.load %arg2[%get3A_4, %get3A_5, %get3A_6] : memref<1x1x768xf32, #tpu.memory_space<vmem>>, vector<1x1x768xf32>
    %get3A_8 = vector.shape_cast %get3A_7 : vector<1x1x768xf32> to vector<768xf32>
    %add3A = arith.addf %get3A_3, %get3A_8 : vector<768xf32>
    %get3A_9 = arith.constant 0 : index
    %get3A_10 = arith.constant 0 : index
    %get3A_11 = vector.load %arg3[%get3A_9, %get3A_10] : memref<208x768xf32, #tpu.memory_space<vmem>>, vector<208x768xf32>
    %broadcast_in_dim3A = vector.shape_cast %add3A : vector<768xf32> to vector<1x768xf32>
    %add3A_12 = vector.broadcast %broadcast_in_dim3A : vector<1x768xf32> to vector<208x768xf32>
    %add3A_13 = arith.addf %get3A_11, %add3A_12 : vector<208x768xf32>
    %reduce_sum3A = arith.constant dense<0.000000e+00> : vector<208xf32>
    %reduce_sum3A_14 = vector.multi_reduction <add>, %add3A_13, %reduce_sum3A [1] : vector<208x768xf32> to vector<208xf32>
    %broadcast_in_dim3A_15 = vector.shape_cast %reduce_sum3A_14 : vector<208xf32> to vector<208x1xf32>
    %div3A = arith.constant 7.680000e+02 : f32
    %div3A_16 = vector.broadcast %div3A : f32 to vector<208x1xf32>
    %div3A_17 = arith.divf %broadcast_in_dim3A_15, %div3A_16 : vector<208x1xf32>
    %sub3A = vector.broadcast %div3A_17 : vector<208x1xf32> to vector<208x768xf32>
    %sub3A_18 = arith.subf %add3A_13, %sub3A : vector<208x768xf32>
    %mul3A = arith.mulf %sub3A_18, %sub3A_18 : vector<208x768xf32>
    %reduce_sum3A_19 = arith.constant dense<0.000000e+00> : vector<208xf32>
    %reduce_sum3A_20 = vector.multi_reduction <add>, %mul3A, %reduce_sum3A_19 [1] : vector<208x768xf32> to vector<208xf32>
    %broadcast_in_dim3A_21 = vector.shape_cast %reduce_sum3A_20 : vector<208xf32> to vector<208x1xf32>
    %div3A_22 = arith.constant 7.680000e+02 : f32
    %div3A_23 = vector.broadcast %div3A_22 : f32 to vector<208x1xf32>
    %div3A_24 = arith.divf %broadcast_in_dim3A_21, %div3A_23 : vector<208x1xf32>
    %add3A_25 = arith.constant 9.99999974E-6 : f32
    %add3A_26 = vector.broadcast %add3A_25 : f32 to vector<208x1xf32>
    %add3A_27 = arith.addf %div3A_24, %add3A_26 : vector<208x1xf32>
    %rsqrt3A = math.rsqrt %add3A_27 : vector<208x1xf32>
    %mul3A_28 = vector.broadcast %rsqrt3A : vector<208x1xf32> to vector<208x768xf32>
    %mul3A_29 = arith.mulf %sub3A_18, %mul3A_28 : vector<208x768xf32>
    %get3A_30 = arith.constant 0 : index
    %get3A_31 = arith.constant 0 : index
    %get3A_32 = vector.load %arg4[%get3A_30, %get3A_31] : memref<1x768xf32, #tpu.memory_space<vmem>>, vector<1x768xf32>
    %get3A_33 = vector.shape_cast %get3A_32 : vector<1x768xf32> to vector<768xf32>
    %broadcast_in_dim3A_34 = vector.shape_cast %get3A_33 : vector<768xf32> to vector<1x768xf32>
    %mul3A_35 = vector.broadcast %broadcast_in_dim3A_34 : vector<1x768xf32> to vector<208x768xf32>
    %mul3A_36 = arith.mulf %mul3A_29, %mul3A_35 : vector<208x768xf32>
    %get3A_37 = arith.constant 0 : index
    %get3A_38 = arith.constant 0 : index
    %get3A_39 = vector.load %arg5[%get3A_37, %get3A_38] : memref<1x768xf32, #tpu.memory_space<vmem>>, vector<1x768xf32>
    %get3A_40 = vector.shape_cast %get3A_39 : vector<1x768xf32> to vector<768xf32>
    %broadcast_in_dim3A_41 = vector.shape_cast %get3A_40 : vector<768xf32> to vector<1x768xf32>
    %add3A_42 = vector.broadcast %broadcast_in_dim3A_41 : vector<1x768xf32> to vector<208x768xf32>
    %add3A_43 = arith.addf %mul3A_36, %add3A_42 : vector<208x768xf32>
    %swap3A = arith.constant 0 : index
    %swap3A_44 = arith.constant 0 : index
    %swap3A_45 = arith.constant 0 : index
    %swap3A_46 = vector.load %arg6[%swap3A, %swap3A_44, %swap3A_45] : memref<1x208x768xf32, #tpu.memory_space<vmem>>, vector<1x208x768xf32>
    %swap3A_47 = vector.shape_cast %swap3A_46 : vector<1x208x768xf32> to vector<208x768xf32>
    %swap3A_48 = vector.shape_cast %add3A_43 : vector<208x768xf32> to vector<1x208x768xf32>
    tpu.vector_store %arg6[%swap3A, %swap3A_44, %swap3A_45], %swap3A_48 {strides = array<i32>} : memref<1x208x768xf32, #tpu.memory_space<vmem>>, vector<1x208x768xf32>,
    return
  }
  func.func @transform_0(%arg0: i32) -> (i32, i32, i32) {
    %c0_i32 = arith.constant 0 : i32
    %c0_i32_0 = arith.constant 0 : i32
    %c0_i32_1 = arith.constant 0 : i32
    return %arg0, %c0_i32, %c0_i32_0 : i32, i32, i32
  }
  func.func @transform_1(%arg0: i32) -> (i32, i32, i32) {
    %c0_i32 = arith.constant 0 : i32
    %c0_i32_0 = arith.constant 0 : i32
    %c0_i32_1 = arith.constant 0 : i32
    return %arg0, %c0_i32, %c0_i32_0 : i32, i32, i32
  }
  func.func @transform_2(%arg0: i32) -> (i32, i32) {
    %c0_i32 = arith.constant 0 : i32
    %c0_i32_0 = arith.constant 0 : i32
    %c0_i32_1 = arith.constant 0 : i32
    return %c0_i32, %c0_i32_0 : i32, i32
  }
  func.func @transform_3(%arg0: i32) -> (i32, i32) {
    %c0_i32 = arith.constant 0 : i32
    %c0_i32_0 = arith.constant 0 : i32
    %c0_i32_1 = arith.constant 0 : i32
    return %c0_i32, %c0_i32_0 : i32, i32
  }
  func.func @transform_4(%arg0: i32) -> (i32, i32) {
    %c0_i32 = arith.constant 0 : i32
    %c0_i32_0 = arith.constant 0 : i32
    %c0_i32_1 = arith.constant 0 : i32
    return %c0_i32, %c0_i32_0 : i32, i32
  }
  func.func @transform_5(%arg0: i32) -> (i32, i32, i32) {
    %c0_i32 = arith.constant 0 : i32
    %c0_i32_0 = arith.constant 0 : i32
    %c0_i32_1 = arith.constant 0 : i32
    return %arg0, %c0_i32, %c0_i32_0 : i32, i32, i32
  }
}

</mosaic_0001>

<sc_bundles>
// kernel: kernel.5.cloned.1.call-start
scs
__scs_entry_jumppad:
0x0: {  	(pc) =	sbr.rel $0x88, $3  }
0x1: {  	(tag) =	ssettag $0x0;
	lr =	simm.s32 $0x1  }
0x2: {  	[smem:$0x3F9B] =	sst lr;
	_ =	strace $0xD0000000  }
0x3: {  	_ = 	snop  }
0x4: {  	_ = 	snop  }
0x5: {  	_ = 	snop  }
0x6: {  	_ = 	snop  }
0x7: {  	_ = 	snop  }
__scs_overlays_trampoline_lowered:
0x8: {  	[smem:$0x3FAA] =	sst s0  }
0x9: {  	[smem:$0x3FAB] =	sst s1  }
0xa: {  	[smem:$0x3FAC] =	sst s2  }
0xb: {  	[smem:$0x3FAD] =	sst s3  }
0xc: {  	[smem:$0x3FAE] =	sst s4  }
0xd: {  	[smem:$0x3FAF] =	sst s5  }
0xe: {  	[smem:$0x3FB0] =	sst s6  }
0xf: {  	[smem:$0x3FB1] =	sst s7  }
0x10: {  	[smem:$0x3FB2] =	sst s8  }
0x11: {  	[smem:$0x3FB3] =	sst s9;
	s0 =	simm.s32 @!p0 $0x0  }
0x12: {  	s1 =	sld [smem:$0x3F99];
	s0 =	simm.s32 @p0 $0x1  }
0x13: {  	[smem:$0x3FB4] =	sst s0;
	s0 =	simm.s32 @!p1 $0x0  }
0x14: {  	s2 =	sld [smem:$0x3F98];
	s0 =	simm.s32 @p1 $0x1  }
0x15: {  	[smem:$0x3FB5] =	sst s0;
	s0 =	simm.s32 @!p2 $0x0  }
0x16: {  	s3 =	sld [smem:$0x3FDB];
	s0 =	simm.s32 @p2 $0x1  }
0x17: {  	s4 =	simm.s32 $0x1BF5;
	[smem:$0x3FB7] =	sst s0  }
0x18: {  	s0 =	sld [smem:$0x3F9A];
	_ =	swait.ge [sflag:s4], $0x0  }
0x19: {  	s7 =	sld [smem:$0x3F9B]  }
0x1a: {  	s8 =	sadd.s32 $0xFFFFE003, lr  }
0x1b: {  	s9 =	sadd.s32 $0xFFFFFEF7, lr;
	s5 =	simm.s32 $0xFFFFFFFF;
	p2 =	slt.u32 s8, $0xFFFFF086  }
0x1c: {  	p1 =	slt.u32 s9, $0xF7A;
	s5 =	simm.s32 @!p2 $0x0  }
0x1d: {  	s5 =	simm.s32 @p1 $0x1;
	p0 =	seq.s32 s7, s2  }
0x1e: {  	s7 =	smul.u32 @!p0 $0xF7A, s2;
	p2 =	seq.s32 @!p0 s5, $0x0  }
0x1f: {  	s9 =	smul.u32 $0xF7A, s1;
	s8 =	simm.s32 @!p0 $0x1BF5;
	p2 =	por !p2, p0  }
0x20: {  	[sflag:s8] =	ssyncset.s32 @!p0 $0xFFFFF086;
	s6 =	sadd.s32 @!p0 s3, s7;
	s7 =	simm.s32 @!p0 $0x108  }
0x21: {  	s3 =	sadd.s32 s3, s9;
	s6 =	sadd.s32 @!p0 $0x88, s6;
	s7 =	simm.s32 @p2 $0x1082  }
0x22: {  	[simem:s7], [sflag:s8] =	dma.local @!p0 [hbm:s6], $0xF7A  }
0x23: {  	s9 =	sor.u32 $0xD0000000, s2;
	s6 =	simm.s32 $0x108;
	_ =	swait.ge @!p0 [sflag:s8], $0x0  }
0x24: {  	s3 =	sadd.s32 $0x88, s3;
	s6 =	simm.s32 @!p1 $0x1082;
	[sflag:s4] =	ssyncset.s32 $0xFFFFF086  }
0x25: {  	[simem:s6], [sflag:s4] =	dma.local [hbm:s3], $0xF7A  }
0x26: {  	[smem:$0x3F9B] =	sst s1;
	(tag) =	ssettag s2;
	_ =	strace s9  }
0x27: {  	s1 =	sld [smem:$0x3FAB]  }
0x28: {  	s2 =	sld [smem:$0x3FAC]  }
0x29: {  	s4 =	sld [smem:$0x3FAE]  }
0x2a: {  	p0 =	seq.s32 s5, $0x0;
	s5 =	sld [smem:$0x3FAF]  }
0x2b: {  	s6 =	sld [smem:$0x3FB0]  }
0x2c: {  	s7 =	sld [smem:$0x3FB1]  }
0x2d: {  	s3 =	simm.s32 $0x108;
	s8 =	sld [smem:$0x3FB2]  }
0x2e: {  	s3 =	simm.s32 @!p0 $0x1082;
	s9 =	sld [smem:$0x3FB3]  }
0x2f: {  	lr =	sadd.s32 s0, s3;
	s0 =	sld [smem:$0x3FAA]  }
0x30: {  	s3 =	sld [smem:$0x3FAD]  }
0x31: {  	[smem:$0x3FB6] =	sst s10  }
0x32: {  	s10 =	sld [smem:$0x3FB4];
	_ =	sdelay $0x3  }
0x33: {  	p0 =	seq.s32 s10, $0x1;
	s10 =	sld [smem:$0x3FB6];
	_ =	sdelay $0x3  }
0x34: {  	[smem:$0x3FB6] =	sst s10  }
0x35: {  	s10 =	sld [smem:$0x3FB5];
	_ =	sdelay $0x3  }
0x36: {  	p1 =	seq.s32 s10, $0x1;
	s10 =	sld [smem:$0x3FB6];
	_ =	sdelay $0x3  }
0x37: {  	[smem:$0x3FB6] =	sst s10  }
0x38: {  	s10 =	sld [smem:$0x3FB7]  }
0x39: {  	_ = 	snop;
	(pc) =	sbr.ind lr, $3  }
0x3a: {  	_ = 	snop  }
0x3b: {  	_ = 	snop  }
0x3c: {  	p2 =	seq.s32 s10, $0x1;
	s10 =	sld [smem:$0x3FB6]  }
0x3d: {  	_ =	shalt  }
0x3e: {  	_ =	shalt  }
0x3f: {  	_ =	shalt  }
0x40: {  	_ =	shalt  }
0x41: {  	_ =	shalt  }
0x42: {  	_ =	shalt  }
0x43: {  	_ =	shalt  }
0x44: {  	_ =	shalt  }
0x45: {  	_ =	shalt  }
0x46: {  	_ =	shalt  }
0x47: {  	_ =	shalt  }
0x48: {  	_ =	shalt  }
0x49: {  	_ =	shalt  }
0x4a: {  	_ =	shalt  }
0x4b: {  	_ =	shalt  }
0x4c: {  	_ =	shalt  }
0x4d: {  	_ =	shalt  }
0x4e: {  	_ =	shalt  }
0x4f: {  	_ =	shalt  }
0x50: {  	_ =	shalt  }
0x51: {  	_ =	shalt  }
0x52: {  	_ =	shalt  }
0x53: {  	_ =	shalt  }
0x54: {  	_ =	shalt  }
0x55: {  	_ =	shalt  }
0x56: {  	_ =	shalt  }
0x57: {  	_ =	shalt  }
0x58: {  	_ =	shalt  }
0x59: {  	_ =	shalt  }
0x5a: {  	_ =	shalt  }
0x5b: {  	_ =	shalt  }
0x5c: {  	_ =	shalt  }
0x5d: {  	_ =	shalt  }
0x5e: {  	_ =	shalt  }
0x5f: {  	_ =	shalt  }
0x60: {  	_ =	shalt  }
0x61: {  	_ =	shalt  }
0x62: {  	_ =	shalt  }
0x63: {  	_ =	shalt  }
0x64: {  	_ =	shalt  }
0x65: {  	_ =	shalt  }
0x66: {  	_ =	shalt  }
0x67: {  	_ =	shalt  }
0x68: {  	_ =	shalt  }
0x69: {  	_ =	shalt  }
0x6a: {  	_ =	shalt  }
0x6b: {  	_ =	shalt  }
0x6c: {  	_ =	shalt  }
0x6d: {  	_ =	shalt  }
0x6e: {  	_ =	shalt  }
0x6f: {  	_ =	shalt  }
0x70: {  	_ =	shalt  }
0x71: {  	_ =	shalt  }
0x72: {  	_ =	shalt  }
0x73: {  	_ =	shalt  }
0x74: {  	_ =	shalt  }
0x75: {  	_ =	shalt  }
0x76: {  	_ =	shalt  }
0x77: {  	_ =	shalt  }
0x78: {  	_ =	shalt  }
0x79: {  	_ =	shalt  }
0x7a: {  	_ =	shalt  }
0x7b: {  	_ =	shalt  }
0x7c: {  	_ =	shalt  }
0x7d: {  	_ =	shalt  }
0x7e: {  	_ =	shalt  }
0x7f: {  	_ =	shalt  }
0x80: {  	_ =	shalt  }
0x81: {  	_ =	shalt  }
0x82: {  	_ =	shalt  }
0x83: {  	_ =	shalt  }
0x84: {  	_ =	shalt  }
0x85: {  	_ =	shalt  }
0x86: {  	_ =	shalt  }
0x87: {  	_ =	shalt  }
.Lfunc_end0:
.L_simem_size_0:
called_computation_lowered:
.L_overlay_start_0:
0x88: {  	s2 =	sld [smem:$0x3FD9]  }
0x89: {  	s3 =	sld [smem:$0x3FFE];
	_ =	sdelay $0x1  }
0x8a: {  	s1 =	srdreg.scid  }
0x8b: {  	s0 =	sand.u32 $0x1, s1  }
0x8c: {  	s14 =	sshll.u32 s0, $0xA;
	s2 =	sadd.s32 s3, s2  }
0x8d: {  	s2 =	sadd.s32 s2, s14  }
0x8e: {  	[smem:$0x3FC2] =	sst s2  }
0x8f: {  	_ = 	snop  }
0x90: {  	s2 =	sld [smem:$0x3FD0];
	_ =	sdelay $0x2  }
0x91: {  	s15 =	simm.s32 $0xA;
	s4 =	simm.s32 $0x10  }
0x92: {  	[smem:s4], [sflag:s15] =	dma.local [hbm:s2], $0x1  }
0x93: {  	_ =	swait.eq [sflag:s15], $0x1  }
0x94: {  	[sflag:s15] =	ssyncset.done $0x0  }
0x95: {  	[sflag:s15] =	ssyncadd.s32 $0xFFFFFFFF  }
0x96: {  	s16 =	sld [smem:$0x10];
	(tm) =	ssettm $0x1  }
0x97: {  	s17 =	sld [smem:$0x3FFB];
	_ =	sdelay $0x3  }
0x98: {  	_ =	strace s17  }
0x99: {  	s3 =	sld [smem:$0x3FFC];
	_ =	sdelay $0x3  }
0x9a: {  	_ =	strace s3  }
0x9b: {  	s3 =	sld [smem:$0x3FFD];
	_ =	sdelay $0x3  }
0x9c: {  	_ =	strace s3  }
0x9d: {  	_ =	strace $0x8FFFFFFF  }
0x9e: {  	s18 =	sld [smem:$0x3FDB];
	_ =	sdelay $0x1  }
0x9f: {  	s19 =	simm.s32 $_scs_section_size  }
0xa0: {  	s5 =	simm.s32 $_size__tile_overlayer_lowered;
	s6 =	simm.s32 $_tile_overlayer_lowered  }
0xa1: {  	s22 =	simm.s32 $0x1BFF;
	s21 =	sshll.u32 s6, $0x1;
	s3 =	sadd.s32 s19, s18  }
0xa2: {  	s7 =	simm.s32 $0x0;
	s20 =	sshll.u32 s5, $0x1;
	s5 =	sadd.s32 s21, s3  }
0xa3: {  	[timem:s7], [sflag:s22] =	dma.local [hbm:s5], s20  }
0xa4: {  	_ =	swait.ge [sflag:s22], s20  }
0xa5: {  	s4 =	ssub.s32 $0x0, s20;
	[sflag:s22] =	ssyncset.done $0x0  }
0xa6: {  	[sflag:s22] =	ssyncadd.s32 s4;
	_ =	sdelay $0x1  }
0xa7: {  	s23 =	simm.s32 $0x1B8B  }
0xa8: {  	_ =	swait.ge [sflag:s23], $0x1  }
0xa9: {  	[sflag:s23] =	ssyncset.done $0x0  }
0xaa: {  	s25 =	simm.s32 $0x1B8E;
	s24 =	sld [smem:$0x3FFE];
	[sflag:s23] =	ssyncadd.s32 $0xFFFFFFFF  }
0xab: {  	s26 =	simm.s32 $execute0_lowered;
	[smem:$0x3FD2] =	sst s25  }
0xac: {  	s5 =	sshll.u32 s26, $0x1;
	_ =	strace $0x80000046;
	[dreg:$0x1] =	wrdreg $0xFFFFFFFF  }
0xad: {  	s28 =	simm.s32 $_size_execute0_lowered;
	s3 =	sadd.s32 s3, s5;
	[dreg:$0x0] =	wrdreg $0x0  }
0xae: {  	s5 =	sshll.u32 s28, $0x1;
	[dreg:$0x2] =	wrdreg s3  }
0xaf: {  	[dreg:$0x3] =	wrdreg s5  }
0xb0: {  	[dreg:$0x4] =	wrdreg $0xC0  }
0xb1: {  	_ =	task [dreg:s7], $0x5FFFF  }
0xb2: {  	[dreg:$0x1] =	wrdreg $0xFFFFFFFF  }
0xb3: {  	[dreg:$0x0] =	wrdreg $0x60  }
0xb4: {  	[dreg:$0x2] =	wrdreg s24  }
0xb5: {  	[dreg:$0x3] =	wrdreg s16  }
0xb6: {  	[dreg:$0x4] =	wrdreg $0x9  }
0xb7: {  	_ =	task.clear_ibuf [dreg:s7], $0x5FFFF;
	_ =	strace $0x90000046  }
0xb8: {  	s29 =	simm.s32 $0x9;
	_ =	strace $0x8000004F  }
0xb9: {  	_ =	swait.ge [sflag:s29], $0x1  }
0xba: {  	[sflag:s29] =	ssyncadd.s32 $0xFFFFFFFF  }
0xbb: {  	_ =	strace $0x9000004F  }
0xbc: {  	_ =	sfence  }
0xbd: {  	s30 =	sld [smem:$0x0];
	_ =	sdelay $0x2  }
0xbe: {  	s31 =	sshll.u32 s1, $0xD;
	s1 =	sshrl.u32 s1, $0x2  }
0xbf: {  	s3 =	sand.u32 $0x4000, s31;
	s1 =	sadd.s32 s1, s30  }
0xc0: {  	s0 =	sor.u32 s3, s0;
	s1 =	sshll.u32 s1, $0x11  }
0xc1: {  	s0 =	sor.u32 s1, s0  }
0xc2: {  	s0 =	sadd.s32 $0x8F2B, s0  }
0xc3: {  	[sflag:s0] =	ssyncadd.remote.s32 $0x1  }
0xc4: {  	_ =	sfence.sel $0xFFFF  }
0xc5: {  	[dreg:$0x0] =	wrdreg $0xFFFFFFFF;
	(pc) =	sbr.abs _section_cstart, $3  }
0xc6: {  	[dreg:$0x1] =	wrdreg $0xFFFFFFFF  }
0xc7: {  	_ =	task.clear_ibuf [dreg:s7], $0x2FFFF;
	_ =	strace $0x9FFFFFFF  }
0xc8: {  	(tm) =	ssettm $0x7FFFFFFF  }
0xc9: {  	_ =	shalt  }
tec
execute0_lowered:
.L_overlay_start_1:
0x0: {  	(tag) =	ssettag $0x1  }
0x1: {  	s8 =	rddreg [dreg:$0x0]  }
0x2: {  	s0 =	rddreg [dreg:$0x1]  }
0x3: {  	s1 =	srdreg.scid;
	s2 =	simm.s32 $0x0;
	s10 =	simm.s32 $0x5  }
0x4: {  	s11 =	simm.s32 $0x4;
	s12 =	simm.s32 $0x0;
	[dreg:$0x3] =	wrdreg s0  }
0x5: {  	s0 =	rddreg [dreg:$0x2];
	s3 =	sand.u32 $0x1, s1;
	s1 =	stileid.u32  }
0x6: {  	[smem:$0x7FF] =	sst s2;
	s4 =	sshll.u32 s3, $0x4;
	s6 =	ssub.s32 $0x2, s3  }
0x7: {  	_ =	strace $0x80000047;
	s5 =	sor.u32 s1, s4;
	s9 =	sshrl.u32 s6, $0x1  }
0x8: {  	v2 =	vlaneseq.u32;
	s3 =	sadd.s32 $0x18600, s8;
	s7 =	smul.u32 $0x3C0, s5;
	s9 =	ssub.s32 s6, s9  }
0x9: {  	vm0 =	vmmov $0xffff;
	v1 =	vshrl.u32 v2, $0x3;
	s4 =	sadd.s32 $0x10E00, s8;
	s5 =	smul.u32 $0x3C, s5;
	s9 =	smax.u32 s9, $0x1  }
0xa: {  	v0 =	vand.u32 $0x7, v2;
	v2 =	vor.u32 $0x8, v2;
	v1 =	vmul.u32 $0x8, v1;
	s6 =	sadd.s32 s4, s7;
	s7 =	sadd.s32 $0x18700, s8;
	s8 =	sadd.s32 $0x18800, s8  }
.LBB2_1:
0xb: {  	_ =	strace $0x80000048;
	s13 =	simm.s32 $0x3C  }
0xc: {  	s14 =	simm.s32 $0x0;
	s15 =	simm.s32 $0x0;
	s16 =	simm.s32 $0x0  }
0xd: {  	[tilespmem:s2], [sflag:$0x1] =	stream.linear.gather [hbm4b:s6+s2], $0x80, $0x200038;
	[tilespmem:$0x18100] =	vst v63  }
0xe: {  	s17 =	simm.s32 $0x0;
	s18 =	simm.s32 $0x1;
	_ =	strace $0x90000048  }
.LBB2_2:
0xf: {  	s19 =	smov.u32 s14;
	s14 =	sadd.s32 $0x1, s14  }
0x10: {  	p0 =	seq.s32 s14, $0x3C  }
0x11: {  	s14 =	simm.s32 @p0 $0x0  }
0x12: {  	p6 =	sne.s32 s13, $0x1;
	p1 =	sne.s32 s19, s14  }
0x13: {  	p0 =	por !p6, !p1  }
0x14: {  	p0 =	por !p0, !p0  }
0x15: {  	s20 =	sadd.s32 @p0 s5, s14  }
0x16: {  	s21 =	sand.u32 @p0 $0x1, s18;
	s20 =	sshll.u32 @p0 s20, $0x4  }
0x17: {  	_ =	strace @p0 $0x80000049;
	s23 =	simm.s32 @p0 $0x0;
	s20 =	sand.u32 @p0 $0x1FFFFFF0, s20  }
0x18: {  	s22 =	sshll.u32 @p0 s21, $0x7;
	s21 =	sadd.s32 @p0 $0x1, s21;
	s20 =	sadd.s32 @p0 s4, s20  }
0x19: {  	[tilespmem:s22], [sflag:s21] =	stream.linear.gather @p0 [hbm4b:s20+s23], $0x80, $0x200038;
	[tilespmem:$0x18100] =	vst v63  }
0x1a: {  	s25 =	sand.u32 $0x1, s17;
	_ =	strace @p0 $0x90000049  }
0x1b: {  	s20 =	sadd.s32 $0x1, s25;
	_ =	strace $0x8000004A  }
0x1c: {  	_ =	swait.ge [sflag:s20], $0x80  }
0x1d: {  	[sflag:s20] =	ssyncset.done $0x0  }
0x1e: {  	[sflag:s20] =	ssyncadd.s32 $0xFFFFFF80  }
0x1f: {  	s26 =	sshll.u32 s17, $0x7;
	_ =	strace $0x9000004A  }
0x20: {  	s23 =	sand.u32 $0x80, s26;
	_ =	strace $0x8000004B  }
0x21: {  	v3 =	vld [tilespmem:s23+$0x0];
	_ =	sdelay $0x4  }
0x22: {  	v4 =	vshrl.u32 v3, $0x3  }
0x23: {  	v4 =	vmul.u32 $0x30, v4  }
0x24: {  	v3 =	vand.u32 $0x7, v3  }
0x25: {  	v3 =	vor.u32 v3, v4  }
0x26: {  	v4 =	vperm.xlane v3, v0;
	_ =	sdelay $0x1  }
0x27: {  	s20 =	sand.u32 $0x1, s16;
	v4 =	vadd.s32 v1, v4  }
0x28: {  	s28 =	smul.u32 $0x30000, s20;
	_ =	sdelay $0x1  }
0x29: {  	s22 =	sshrl.u32 s28, $0x2  }
0x2a: {  	s21 =	sor.u32 $0x100, s22;
	v3 =	vperm.xlane v3, v2  }
0x2b: {  	[tilespmem:s21], [sflag:$0x5] =	stream.indirect_vreg.gather [hbm4b:s3+s2], $0x80, v4, vm0, $0x2000b8;
	[tilespmem:$0x18100] =	vst v63  }
0x2c: {  	s24 =	sor.u32 $0x900, s22;
	v3 =	vadd.s32 v1, v3  }
0x2d: {  	[tilespmem:s24], [sflag:$0x5] =	stream.indirect_vreg.gather [hbm4b:s7+s2], $0x80, v4, vm0, $0x2000b8;
	[tilespmem:$0x18100] =	vst v63  }
0x2e: {  	s29 =	sor.u32 $0x1100, s22  }
0x2f: {  	[tilespmem:s29], [sflag:$0x5] =	stream.indirect_vreg.gather [hbm4b:s8+s2], $0x80, v4, vm0, $0x2000b8;
	[tilespmem:$0x18100] =	vst v63  }
0x30: {  	s30 =	sor.u32 $0x1900, s22  }
0x31: {  	[tilespmem:s30], [sflag:$0x5] =	stream.indirect_vreg.gather [hbm4b:s3+s2], $0x80, v3, vm0, $0x2000b8;
	[tilespmem:$0x18100] =	vst v63  }
0x32: {  	s31 =	sor.u32 $0x2100, s22  }
0x33: {  	[tilespmem:s31], [sflag:$0x5] =	stream.indirect_vreg.gather [hbm4b:s7+s2], $0x80, v3, vm0, $0x2000b8;
	[tilespmem:$0x18100] =	vst v63  }
0x34: {  	s25 =	sor.u32 $0x2900, s22  }
0x35: {  	[tilespmem:s25], [sflag:$0x5] =	stream.indirect_vreg.gather [hbm4b:s8+s2], $0x80, v3, vm0, $0x2000b8;
	[tilespmem:$0x18100] =	vst v63  }
0x36: {  	v3 =	vld [tilespmem:s23+$0x10];
	_ =	sdelay $0x4  }
0x37: {  	v61 =	vshrl.u32 v3, $0x3  }
0x38: {  	v4 =	vmul.u32 $0x30, v61  }
0x39: {  	v3 =	vand.u32 $0x7, v3  }
0x3a: {  	v3 =	vor.u32 v3, v4  }
0x3b: {  	v4 =	vperm.xlane v3, v0;
	_ =	sdelay $0x1  }
0x3c: {  	v4 =	vadd.s32 v1, v4;
	_ =	sdelay $0x3  }
0x3d: {  	s26 =	sor.u32 $0x3100, s22;
	v3 =	vperm.xlane v3, v2  }
0x3e: {  	[tilespmem:s26], [sflag:$0x5] =	stream.indirect_vreg.gather [hbm4b:s3+s2], $0x80, v4, vm0, $0x2000b8;
	[tilespmem:$0x18100] =	vst v63  }
0x3f: {  	s28 =	sor.u32 $0x3900, s22;
	v3 =	vadd.s32 v1, v3  }
0x40: {  	[tilespmem:s28], [sflag:$0x5] =	stream.indirect_vreg.gather [hbm4b:s7+s2], $0x80, v4, vm0, $0x2000b8;
	[tilespmem:$0x18100] =	vst v63  }
0x41: {  	s29 =	sadd.s32 $0x4100, s22  }
0x42: {  	[tilespmem:s29], [sflag:$0x5] =	stream.indirect_vreg.gather [hbm4b:s8+s2], $0x80, v4, vm0, $0x2000b8;
	[tilespmem:$0x18100] =	vst v63  }
0x43: {  	s30 =	sadd.s32 $0x4900, s22  }
0x44: {  	[tilespmem:s30], [sflag:$0x5] =	stream.indirect_vreg.gather [hbm4b:s3+s2], $0x80, v3, vm0, $0x2000b8;
	[tilespmem:$0x18100] =	vst v63  }
0x45: {  	s31 =	sadd.s32 $0x5100, s22  }
0x46: {  	[tilespmem:s31], [sflag:$0x5] =	stream.indirect_vreg.gather [hbm4b:s7+s2], $0x80, v3, vm0, $0x2000b8;
	[tilespmem:$0x18100] =	vst v63  }
0x47: {  	s25 =	sadd.s32 $0x5900, s22  }
0x48: {  	[tilespmem:s25], [sflag:$0x5] =	stream.indirect_vreg.gather [hbm4b:s8+s2], $0x80, v3, vm0, $0x2000b8;
	[tilespmem:$0x18100] =	vst v63  }
0x49: {  	v3 =	vld [tilespmem:s23+$0x20];
	_ =	sdelay $0x4  }
0x4a: {  	v62 =	vshrl.u32 v3, $0x3  }
0x4b: {  	v4 =	vmul.u32 $0x30, v62  }
0x4c: {  	v3 =	vand.u32 $0x7, v3  }
0x4d: {  	v3 =	vor.u32 v3, v4  }
0x4e: {  	v4 =	vperm.xlane v3, v0;
	_ =	sdelay $0x1  }
0x4f: {  	v4 =	vadd.s32 v1, v4;
	_ =	sdelay $0x3  }
0x50: {  	s26 =	sadd.s32 $0x6100, s22;
	v3 =	vperm.xlane v3, v2  }
0x51: {  	[tilespmem:s26], [sflag:$0x5] =	stream.indirect_vreg.gather [hbm4b:s3+s2], $0x80, v4, vm0, $0x2000b8;
	[tilespmem:$0x18100] =	vst v63  }
0x52: {  	s28 =	sadd.s32 $0x6900, s22;
	v3 =	vadd.s32 v1, v3  }
0x53: {  	[tilespmem:s28], [sflag:$0x5] =	stream.indirect_vreg.gather [hbm4b:s7+s2], $0x80, v4, vm0, $0x2000b8;
	[tilespmem:$0x18100] =	vst v63  }
0x54: {  	s29 =	sadd.s32 $0x7100, s22  }
0x55: {  	[tilespmem:s29], [sflag:$0x5] =	stream.indirect_vreg.gather [hbm4b:s8+s2], $0x80, v4, vm0, $0x2000b8;
	[tilespmem:$0x18100] =	vst v63  }
0x56: {  	s30 =	sadd.s32 $0x7900, s22  }
0x57: {  	[tilespmem:s30], [sflag:$0x5] =	stream.indirect_vreg.gather [hbm4b:s3+s2], $0x80, v3, vm0, $0x2000b8;
	[tilespmem:$0x18100] =	vst v63  }
0x58: {  	s31 =	sadd.s32 $0x8100, s22  }
0x59: {  	[tilespmem:s31], [sflag:$0x5] =	stream.indirect_vreg.gather [hbm4b:s7+s2], $0x80, v3, vm0, $0x2000b8;
	[tilespmem:$0x18100] =	vst v63  }
0x5a: {  	s25 =	sadd.s32 $0x8900, s22  }
0x5b: {  	[tilespmem:s25], [sflag:$0x5] =	stream.indirect_vreg.gather [hbm4b:s8+s2], $0x80, v3, vm0, $0x2000b8;
	[tilespmem:$0x18100] =	vst v63  }
0x5c: {  	v3 =	vld [tilespmem:s23+$0x30];
	_ =	sdelay $0x4  }
0x5d: {  	v63 =	vshrl.u32 v3, $0x3  }
0x5e: {  	v4 =	vmul.u32 $0x30, v63  }
0x5f: {  	v3 =	vand.u32 $0x7, v3  }
0x60: {  	v3 =	vor.u32 v3, v4  }
0x61: {  	v4 =	vperm.xlane v3, v0;
	_ =	sdelay $0x1  }
0x62: {  	v4 =	vadd.s32 v1, v4;
	_ =	sdelay $0x3  }
0x63: {  	s26 =	sadd.s32 $0x9100, s22;
	v3 =	vperm.xlane v3, v2  }
0x64: {  	[tilespmem:s26], [sflag:$0x5] =	stream.indirect_vreg.gather [hbm4b:s3+s2], $0x80, v4, vm0, $0x2000b8;
	[tilespmem:$0x18100] =	vst v63  }
0x65: {  	s28 =	sadd.s32 $0x9900, s22;
	v3 =	vadd.s32 v1, v3  }
0x66: {  	[tilespmem:s28], [sflag:$0x5] =	stream.indirect_vreg.gather [hbm4b:s7+s2], $0x80, v4, vm0, $0x2000b8;
	[tilespmem:$0x18100] =	vst v63  }
0x67: {  	s29 =	sadd.s32 $0xA100, s22  }
0x68: {  	[tilespmem:s29], [sflag:$0x5] =	stream.indirect_vreg.gather [hbm4b:s8+s2], $0x80, v4, vm0, $0x2000b8;
	[tilespmem:$0x18100] =	vst v63  }
0x69: {  	s30 =	sadd.s32 $0xA900, s22  }
0x6a: {  	[tilespmem:s30], [sflag:$0x5] =	stream.indirect_vreg.gather [hbm4b:s3+s2], $0x80, v3, vm0, $0x2000b8;
	[tilespmem:$0x18100] =	vst v63  }
0x6b: {  	s31 =	sadd.s32 $0xB100, s22  }
0x6c: {  	[tilespmem:s31], [sflag:$0x5] =	stream.indirect_vreg.gather [hbm4b:s7+s2], $0x80, v3, vm0, $0x2000b8;
	[tilespmem:$0x18100] =	vst v63  }
0x6d: {  	s22 =	sadd.s32 $0xB900, s22  }
0x6e: {  	[tilespmem:s22], [sflag:$0x5] =	stream.indirect_vreg.gather [hbm4b:s8+s2], $0x80, v3, vm0, $0x2000b8;
	[tilespmem:$0x18100] =	vst v63  }
0x6f: {  	_ =	swait.ge [sflag:s10], $0xC000  }
0x70: {  	[sflag:s10] =	ssyncset.done $0x0  }
0x71: {  	p2 =	seq.s32 s13, $0x1;
	[sflag:s10] =	ssyncadd.s32 $0xFFFF4000  }
0x72: {  	s19 =	sadd.s32 s5, s19;
	p1 =	por p2, p1;
	_ =	strace $0x9000004B  }
0x73: {  	s19 =	smul.u32 @p1 $0x1800, s19;
	s23 =	simm.s32 $0x1;
	_ =	strace @p1 $0x8000004C  }
0x74: {  	s20 =	sadd.s32 @p1 $0x3, s20;
	s23 =	simm.s32 @!p0 $0x0;
	s22 =	rddreg [dreg:$0x3]  }
0x75: {  	p0 =	seq.s32 s13, $0x3C;
	s19 =	sadd.s32 @p1 s22, s19;
	s22 =	simm.s32 @p1 $0x0  }
0x76: {  	[hbm4b:s19+s22] =	stream.linear.scatter @p1 [tilespmem:s21], [sflag:s20], $0xC000, $0x200038;
	[tilespmem:$0x18100] =	vst v63  }
0x77: {  	s19 =	simm.s32 $0x1;
	s21 =	simm.s32 $0x1;
	_ =	strace @p1 $0x9000004C  }
0x78: {  	s19 =	simm.s32 @!p1 $0x0;
	p1 =	sne.s32 s13, $0x3C;
	s13 =	sadd.s32 $0xFFFFFFFF, s13  }
0x79: {  	s20 =	sand.u32 @!p0 $0x1, s15;
	s21 =	simm.s32 @!p1 $0x0;
	p1 =	sne.s32 s13, $0x0  }
.Ltmp0:
0x7a: {  	s20 =	sadd.s32 @!p0 $0x3, s20;
	_ =	strace @!p0 $0x8000004D;
	(pc) =	sbr.rel @p1 .LBB2_2-.Ltmp0, $4  }
0x7b: {  	_ =	swait.ge @!p0 [sflag:s20], $0xC000  }
0x7c: {  	[sflag:s20] =	ssyncset.done @!p0 $0x0  }
0x7d: {  	s18 =	sadd.s32 s23, s18;
	s16 =	sadd.s32 s19, s16;
	[sflag:s20] =	ssyncadd.s32 @!p0 $0xFFFF4000  }
0x7e: {  	s17 =	sadd.s32 s19, s17;
	s15 =	sadd.s32 s21, s15;
	_ =	strace @!p0 $0x9000004D  }
0x7f: {  	s12 =	sadd.s32 $0x1, s12  }
0x80: {  	p0 =	sne.s32 s12, s9  }
.Ltmp1:
0x81: {  	_ =	strace $0x8000004E;
	(pc) =	sbr.rel @p0 .LBB2_1-.Ltmp1, $4  }
0x82: {  	_ =	swait.ge [sflag:s11], $0xC000  }
0x83: {  	[sflag:s11] =	ssyncset.done $0x0  }
0x84: {  	[sflag:s11] =	ssyncadd.s32 $0xFFFF4000  }
0x85: {  	_ =	strace $0x9000004E  }
0x86: {  	_ =	sfence.sel $0x180000  }
0x87: {  	[bflag:$0x0] =	sbarrier.arrive $0xFFFF  }
0x88: {  	p0 =	sne.s32 s1, $0x0;
	_ =	strace $0x90000047  }
0x89: {  	s0 =	sadd.s32 @!p0 $0x100000, s0;
	[bflag:$0x2] =	sbarrier.arrive $0xFFFF  }
0x8a: {  	[sflag:s0] =	ssyncadd.tile.s32 @!p0 $0x1;
	_ =	shalt  }
.Lfunc_end2:
_tile_overlayer_lowered:
.L_overlay_start_2:
0x8b: {  	(tag) =	ssettag $0x2  }
0x8c: {  	s0 =	rddreg [dreg:$0x0];
	s2 =	stileid.u32  }
0x8d: {  	s1 =	rddreg [dreg:$0x1];
	p0 =	sne.s32 s2, $0x0  }
0x8e: {  	s3 =	rddreg [dreg:$0x2];
	[bflag:$0x3] =	sbarrier.arrive $0xFFFF;
	s2 =	simm.s32 @!p0 $0x1C01  }
0x8f: {  	[timem:s3], [sflag:s2] =	dma.local @!p0 [hbm:s0], s1  }
0x90: {  	s0 =	simm.s32 @!p0 $0x1  }
0x91: {  	_ =	swait.ge @!p0 [sflag:s0], s1  }
0x92: {  	s1 =	ssub.s32 @!p0 $0x0, s1;
	[sflag:s0] =	ssyncset.done @!p0 $0x0  }
0x93: {  	[sflag:s0] =	ssyncadd.s32 @!p0 s1  }
0x94: {  	[bflag:$0x3] =	sbarrier.arrive $0xFFFF  }
0x95: {  	_ =	shalt  }

</sc_bundles>
